<compile_context>
chip_gen: v7x
topology: tpu7x:2x2x1
jax: 0.10.2.dev20260603
libtpu: 0.0.44.dev20260713+nightly
codegen_flags: <defaults>
</compile_context>

<pallas_src>
import functools

import jax
import jax.numpy as jnp
from jax import lax
from jax.experimental import pallas as pl
from jax.experimental.pallas import tpu as pltpu
from jax.experimental.pallas import tpu_sc as plsc

N = 10000
D = 256
HALF = 128
NP = 10240
E = 160000
CHUNK = 128
NCH = 79
EPT = NCH * CHUNK
EPAD = 16 * EPT
AVPT = NCH * CHUNK
ALPHA = 0.1


def _deg_call(idx3, zeros_deg, ones_v_hbm):
    mesh = plsc.VectorSubcoreMesh(core_axis_name="c", subcore_axis_name="s")

    @functools.partial(
        pl.kernel,
        mesh=mesh,
        out_type=jax.ShapeDtypeStruct((2, 2 * NP), jnp.float32),
        scratch_types=[
            pltpu.VMEM((NCH, CHUNK), jnp.int32),
            pltpu.VMEM((CHUNK,), jnp.float32),
            pltpu.VMEM_SHARED((2 * NP,), jnp.float32),
        ],
    )
    def degk(idx_hbm, z_hbm, ones_hbm, out_hbm, idx_v, ones_v, acc):
        c = lax.axis_index("c")
        s = lax.axis_index("s")
        wid = s * 2 + c
        pltpu.sync_copy(idx_hbm.at[wid], idx_v)
        pltpu.sync_copy(ones_hbm, ones_v)
        sl = pl.ds(s * (2 * NP // 16), 2 * NP // 16)
        pltpu.sync_copy(z_hbm.at[sl], acc.at[sl])
        plsc.subcore_barrier()

        def body(j, _):
            pltpu.sync_copy(ones_v, acc.at[idx_v.at[j]], add=True)
            return 0

        lax.fori_loop(0, NCH, body, 0)
        plsc.subcore_barrier()
        pltpu.sync_copy(acc.at[sl], out_hbm.at[c, sl])

    return degk(idx3, zeros_deg, ones_v_hbm)


def _agg_call(h0, h1, src3, dst3, zeros_h):
    mesh = plsc.VectorSubcoreMesh(core_axis_name="c", subcore_axis_name="s")

    @functools.partial(
        pl.kernel,
        mesh=mesh,
        out_type=[
            jax.ShapeDtypeStruct((NP, HALF), jnp.float32),
            jax.ShapeDtypeStruct((NP, HALF), jnp.float32),
        ],
        scratch_types=[
            pltpu.VMEM((NCH, CHUNK), jnp.int32),
            pltpu.VMEM((NCH, CHUNK), jnp.int32),
            pltpu.VMEM((CHUNK, HALF), jnp.float32),
            pltpu.VMEM_SHARED((NP, HALF), jnp.float32),
            pltpu.SemaphoreType.DMA,
        ],
    )
    def aggk(h0_hbm, h1_hbm, src_hbm, dst_hbm, z_hbm, out0_hbm, out1_hbm,
             src_v, dst_v, buf, acc, sem):
        c = lax.axis_index("c")
        s = lax.axis_index("s")
        pltpu.sync_copy(src_hbm.at[s], src_v)
        pltpu.sync_copy(dst_hbm.at[s], dst_v)
        rows = pl.ds(s * (NP // 16), NP // 16)
        pltpu.sync_copy(z_hbm.at[rows], acc.at[rows])
        plsc.subcore_barrier()

        def run(h_hbm):
            def body(j, _):
                pltpu.async_copy(h_hbm.at[src_v.at[j]], buf, sem).wait()
                pltpu.sync_copy(buf, acc.at[dst_v.at[j]], add=True)
                return 0

            lax.fori_loop(0, NCH, body, 0)

        @pl.when(c == 0)
        def _():
            run(h0_hbm)

        @pl.when(c == 1)
        def _():
            run(h1_hbm)

        plsc.subcore_barrier()

        @pl.when(c == 0)
        def _():
            pltpu.sync_copy(acc.at[rows], out0_hbm.at[rows])

        @pl.when(c == 1)
        def _():
            pltpu.sync_copy(acc.at[rows], out1_hbm.at[rows])

    return aggk(h0, h1, src3, dst3, zeros_h)


def _h_body(feat_ref, deg_ref, h0_ref, h1_ref):
    dp = deg_ref[...]
    outd = jnp.maximum(dp[0, 0, :] + dp[1, 0, :], 1.0)
    ns = lax.rsqrt(outd)
    h = feat_ref[...] * ns[:, None]
    h0_ref[...] = h[:, :HALF]
    h1_ref[...] = h[:, HALF:]


def _h_call(feat, deg3):
    R = 512
    nb = NP // R
    return pl.pallas_call(
        _h_body,
        grid=(nb,),
        in_specs=[
            pl.BlockSpec((R, D), lambda i: (i, 0)),
            pl.BlockSpec((2, 2, R), lambda i: (0, 0, i)),
        ],
        out_specs=[
            pl.BlockSpec((R, HALF), lambda i: (i, 0)),
            pl.BlockSpec((R, HALF), lambda i: (i, 0)),
        ],
        out_shape=[
            jax.ShapeDtypeStruct((NP, HALF), jnp.float32),
            jax.ShapeDtypeStruct((NP, HALF), jnp.float32),
        ],
    )(feat, deg3)


def _out_body(beta_ref, r0_ref, r1_ref, deg_ref, init_ref, w_ref, out_ref):
    dp = deg_ref[...]
    ind = jnp.maximum(dp[0, 1, :] + dp[1, 1, :], 1.0)
    nd = lax.rsqrt(ind)[:, None]
    rst = jnp.concatenate([r0_ref[...], r1_ref[...]], axis=1) * nd
    a = (1.0 - ALPHA) * rst + ALPHA * init_ref[...]
    b = beta_ref[0, 0]
    out_ref[...] = b * jnp.dot(a, w_ref[...], preferred_element_type=jnp.float32) \
        + (1.0 - b) * a


def _out_call(beta, r0, r1, deg3, initial_feat, W):
    R = 512
    nb = NP // R
    return pl.pallas_call(
        _out_body,
        grid=(nb,),
        in_specs=[
            pl.BlockSpec(memory_space=pltpu.SMEM),
            pl.BlockSpec((R, HALF), lambda i: (i, 0)),
            pl.BlockSpec((R, HALF), lambda i: (i, 0)),
            pl.BlockSpec((2, 2, R), lambda i: (0, 0, i)),
            pl.BlockSpec((R, D), lambda i: (i, 0)),
            pl.BlockSpec((D, D), lambda i: (0, 0)),
        ],
        out_specs=pl.BlockSpec((R, D), lambda i: (i, 0)),
        out_shape=jax.ShapeDtypeStruct((NP, D), jnp.float32),
    )(beta, r0, r1, deg3, initial_feat, W)


def kernel(feat, initial_feat, edge_index, W, l):
    src = edge_index[0].astype(jnp.int32)
    dst = edge_index[1].astype(jnp.int32)

    idx_flat = jnp.concatenate([src, dst + NP])
    idx_flat = jnp.pad(idx_flat, (0, 32 * AVPT - 2 * E), constant_values=N)
    idx3 = idx_flat.reshape(32, NCH, CHUNK)

    src3 = jnp.pad(src, (0, EPAD - E), constant_values=N).reshape(16, NCH, CHUNK)
    dst3 = jnp.pad(dst, (0, EPAD - E), constant_values=N).reshape(16, NCH, CHUNK)

    zeros_deg = jnp.zeros((2 * NP,), jnp.float32)
    ones_v = jnp.ones((CHUNK,), jnp.float32)
    zeros_h = jnp.zeros((NP, HALF), jnp.float32)

    feat_pad = jnp.pad(feat, ((0, NP - N), (0, 0)))
    init_pad = jnp.pad(initial_feat, ((0, NP - N), (0, 0)))

    deg2 = _deg_call(idx3, zeros_deg, ones_v)
    deg3 = deg2.reshape(2, 2, NP)

    h0, h1 = _h_call(feat_pad, deg3)
    r0, r1 = _agg_call(h0, h1, src3, dst3, zeros_h)

    beta = jnp.log(0.5 / l + 1.0).astype(jnp.float32).reshape(1, 1)
    return _out_call(beta, r0, r1, deg3, init_pad, W)[:N]

# --- scband reference (transcript-rebuilt; emitter-appended) ---
"""Pipeline reference for scband-graph-conv-ii-7395933684434 (READ-ONLY COPY).

The authoritative reference and input builder live on the scoring server;
editing this copy changes nothing except your own understanding.
"""

import math
import jax, jax.numpy as jnp
import numpy as np

N = 10000
E = 160000
D = 256
ALPHA = 0.1
LAMDA = 0.5


def setup_inputs(seed: int = 0) -> dict:
    key = jax.random.key(seed)
    k1, k2, k3, k4 = jax.random.split(key, 4)
    feat = jax.random.normal(k1, (N, D), dtype=jnp.float32)
    initial_feat = jax.random.normal(k2, (N, D), dtype=jnp.float32)
    edge_index = jax.random.randint(k3, (2, E), 0, N)
    stdv = 1.0 / math.sqrt(D)
    W = jax.random.uniform(k4, (D, D), minval=-stdv, maxval=stdv, dtype=jnp.float32)
    l = 2
    return {"feat": feat, "initial_feat": initial_feat, "edge_index": edge_index, "W": W, "l": l}


def reference(feat, initial_feat, edge_index, W, l):
    src = edge_index[0]
    dst = edge_index[1]
    # symmetric normalization: D^{-1/2} A D^{-1/2}
    out_deg = jnp.clip(jnp.bincount(src, length=N).astype(jnp.float32), 1.0)
    norm_src = jnp.power(out_deg, -0.5)
    h = feat * norm_src[:, None]
    # copy_src -> sum aggregation (scatter-add over destination nodes)
    msg = jnp.take(h, src, axis=0)
    rst = jnp.zeros((N, D), dtype=feat.dtype).at[dst].add(msg)
    in_deg = jnp.clip(jnp.bincount(dst, length=N).astype(jnp.float32), 1.0)
    norm_dst = jnp.power(in_deg, -0.5)
    rst = rst * norm_dst[:, None]
    # initial residual connection
    rst = (1.0 - ALPHA) * rst + ALPHA * initial_feat
    # identity mapping with decay
    beta_l = jnp.log(LAMDA / l + 1.0).astype(feat.dtype)
    rst = beta_l * jnp.matmul(rst, W) + (1.0 - beta_l) * rst
    return rst

if __name__ == "__main__":
    import jax
    _d = setup_inputs()
    print(jax.jit(kernel)(*tuple(_d.values())))

</pallas_src>

<mosaic_0001>
#map = affine_map<(d0, d1) -> (0, 0, 0)>
#map1 = affine_map<(d0, d1) -> (0)>
#map2 = affine_map<(d0, d1) -> (0, 0)>
module attributes {stable_mosaic.version = 14 : i64} {
  func.func @degk(%arg0: i32, %arg1: i32, %arg2: memref<32x79x128xi32, #tpu.memory_space<hbm>>, %arg3: memref<20480xf32, #tpu.memory_space<hbm>>, %arg4: memref<128xf32, #tpu.memory_space<hbm>>, %arg5: memref<2x20480xf32, #tpu.memory_space<hbm>>, %arg6: memref<79x128xi32, #tpu.memory_space<vmem>>, %arg7: memref<128xf32, #tpu.memory_space<vmem>>, %arg8: memref<20480xf32, #tpu.memory_space<vmem_shared>>) attributes {dimension_semantics = [#tpu.dimension_semantics<core_parallel>, #tpu.dimension_semantics<subcore_parallel>], iteration_bounds = array<i64: 2, 16>, scalar_prefetch = 0 : i64, scratch_operands = 3 : i64, tpu.core_type = #tpu.core_type<sc_vector_subcore>, window_params = [{transform_indices = #map}, {transform_indices = #map1}, {transform_indices = #map1}, {transform_indices = #map2}]} {
    %mul3A = arith.constant 2 : i32
    %mul3A_0 = arith.muli %arg1, %mul3A : i32
    %add3A = arith.addi %mul3A_0, %arg0 : i32
    "tpu.region"() ({
      %run_scoped3A = tpu.sem_alloc : memref<!tpu.dma_semaphore, #tpu.memory_space<semaphore_mem>>
      %dma_start3A = arith.constant 0 : i32
      %dma_start3A_10 = arith.constant 0 : i32
      %dma_start3A_11 = tpu.memref_slice %arg2[%add3A, %dma_start3A, %dma_start3A_10] : memref<32x79x128xi32, #tpu.memory_space<hbm>> -> memref<1x79x128xi32, #tpu.memory_space<hbm>>
      %dma_start3A_12 = tpu.memref_squeeze %dma_start3A_11 : memref<1x79x128xi32, #tpu.memory_space<hbm>> -> memref<79x128xi32, #tpu.memory_space<hbm>>
      %dma_start3A_13 = arith.constant 0 : i32
      %dma_start3A_14 = arith.constant 0 : i32
      %dma_start3A_15 = tpu.memref_slice %arg2[%add3A, %dma_start3A_13, %dma_start3A_14] : memref<32x79x128xi32, #tpu.memory_space<hbm>> -> memref<1x79x128xi32, #tpu.memory_space<hbm>>
      %dma_start3A_16 = tpu.memref_squeeze %dma_start3A_15 : memref<1x79x128xi32, #tpu.memory_space<hbm>> -> memref<79x128xi32, #tpu.memory_space<hbm>>
      tpu.enqueue_dma source(%dma_start3A_16 : memref<79x128xi32, #tpu.memory_space<hbm>>) target(%arg6 : memref<79x128xi32, #tpu.memory_space<vmem>>) target_semaphore(%run_scoped3A : memref<!tpu.dma_semaphore, #tpu.memory_space<semaphore_mem>>)
      %dma_wait3A = arith.constant 0 : i32
      %dma_wait3A_17 = arith.constant 0 : i32
      %dma_wait3A_18 = tpu.memref_slice %arg2[%add3A, %dma_wait3A, %dma_wait3A_17] : memref<32x79x128xi32, #tpu.memory_space<hbm>> -> memref<1x79x128xi32, #tpu.memory_space<hbm>>
      %dma_wait3A_19 = tpu.memref_squeeze %dma_wait3A_18 : memref<1x79x128xi32, #tpu.memory_space<hbm>> -> memref<79x128xi32, #tpu.memory_space<hbm>>
      %dma_wait3A_20 = arith.constant 0 : i32
      %dma_wait3A_21 = arith.constant 0 : i32
      %dma_wait3A_22 = tpu.memref_slice %arg2[%add3A, %dma_wait3A_20, %dma_wait3A_21] : memref<32x79x128xi32, #tpu.memory_space<hbm>> -> memref<1x79x128xi32, #tpu.memory_space<hbm>>
      %dma_wait3A_23 = tpu.memref_squeeze %dma_wait3A_22 : memref<1x79x128xi32, #tpu.memory_space<hbm>> -> memref<79x128xi32, #tpu.memory_space<hbm>>
      tpu.wait_dma2 semaphore(%run_scoped3A : memref<!tpu.dma_semaphore, #tpu.memory_space<semaphore_mem>>) src(%dma_wait3A_23 : memref<79x128xi32, #tpu.memory_space<hbm>>) dst(%arg6 : memref<79x128xi32, #tpu.memory_space<vmem>>)
      tpu.yield
    }) : () -> ()
    "tpu.region"() ({
      %run_scoped3A = tpu.sem_alloc : memref<!tpu.dma_semaphore, #tpu.memory_space<semaphore_mem>>
      tpu.enqueue_dma source(%arg4 : memref<128xf32, #tpu.memory_space<hbm>>) target(%arg7 : memref<128xf32, #tpu.memory_space<vmem>>) target_semaphore(%run_scoped3A : memref<!tpu.dma_semaphore, #tpu.memory_space<semaphore_mem>>)
      tpu.wait_dma2 semaphore(%run_scoped3A : memref<!tpu.dma_semaphore, #tpu.memory_space<semaphore_mem>>) src(%arg4 : memref<128xf32, #tpu.memory_space<hbm>>) dst(%arg7 : memref<128xf32, #tpu.memory_space<vmem>>)
      tpu.yield
    }) : () -> ()
    %mul3A_1 = arith.constant 1280 : i32
    %mul3A_2 = arith.muli %arg1, %mul3A_1 : i32
    "tpu.region"() ({
      %run_scoped3A = tpu.sem_alloc : memref<!tpu.dma_semaphore, #tpu.memory_space<semaphore_mem>>
      %dma_start3A = tpu.memref_slice %arg8[%mul3A_2] : memref<20480xf32, #tpu.memory_space<vmem_shared>> -> memref<1280xf32, #tpu.memory_space<vmem_shared>>
      %dma_start3A_10 = tpu.memref_slice %arg3[%mul3A_2] : memref<20480xf32, #tpu.memory_space<hbm>> -> memref<1280xf32, #tpu.memory_space<hbm>>
      tpu.enqueue_dma source(%dma_start3A_10 : memref<1280xf32, #tpu.memory_space<hbm>>) target(%dma_start3A : memref<1280xf32, #tpu.memory_space<vmem_shared>>) target_semaphore(%run_scoped3A : memref<!tpu.dma_semaphore, #tpu.memory_space<semaphore_mem>>)
      %dma_wait3A = tpu.memref_slice %arg8[%mul3A_2] : memref<20480xf32, #tpu.memory_space<vmem_shared>> -> memref<1280xf32, #tpu.memory_space<vmem_shared>>
      %dma_wait3A_11 = tpu.memref_slice %arg3[%mul3A_2] : memref<20480xf32, #tpu.memory_space<hbm>> -> memref<1280xf32, #tpu.memory_space<hbm>>
      tpu.wait_dma2 semaphore(%run_scoped3A : memref<!tpu.dma_semaphore, #tpu.memory_space<semaphore_mem>>) src(%dma_wait3A_11 : memref<1280xf32, #tpu.memory_space<hbm>>) dst(%dma_wait3A : memref<1280xf32, #tpu.memory_space<vmem_shared>>)
      tpu.yield
    }) : () -> ()
    %barrier3A = arith.constant 0 : index
    tpu.barrier barrier_id(%barrier3A)
    %scan3A = arith.constant 0 : i32
    %scan3A_3 = arith.constant 0 : i32
    %scan3A_4 = arith.constant 79 : i32
    %scan3A_5 = arith.addi %scan3A_3, %scan3A_4 : i32
    %scan3A_6 = arith.constant 1 : i32
    %scan3A_7 = scf.for %scan3A_10 = %scan3A_3 to %scan3A_5 step %scan3A_6 iter_args(%scan3A_11 = %scan3A) -> (i32)  : i32 {
      "tpu.region"() ({
        %run_scoped3A = tpu.sem_alloc : memref<!tpu.dma_semaphore, #tpu.memory_space<semaphore_mem>>
        %dma_start3A = arith.constant 0 : i32
        %dma_start3A_13 = tpu.memref_slice %arg6[%scan3A_10, %dma_start3A] : memref<79x128xi32, #tpu.memory_space<vmem>> -> memref<1x128xi32, #tpu.memory_space<vmem>>
        %dma_start3A_14 = tpu.memref_squeeze %dma_start3A_13 : memref<1x128xi32, #tpu.memory_space<vmem>> -> memref<128xi32, #tpu.memory_space<vmem>>
        %dma_start3A_15 = arith.constant 0 : i32
        %dma_start3A_16 = tpu.memref_slice %arg8[%dma_start3A_15] : memref<20480xf32, #tpu.memory_space<vmem_shared>> -> memref<20480xf32, #tpu.memory_space<vmem_shared>>
        tpu.enqueue_indirect_dma source(%arg7 : memref<128xf32, #tpu.memory_space<vmem>>) target(%dma_start3A_16 : memref<20480xf32, #tpu.memory_space<vmem_shared>>) offsets(%dma_start3A_14 : memref<128xi32, #tpu.memory_space<vmem>>) semaphore(%run_scoped3A : memref<!tpu.dma_semaphore, #tpu.memory_space<semaphore_mem>>) {add = true}
        %dma_wait3A = arith.constant 0 : i32
        %dma_wait3A_17 = tpu.memref_slice %arg6[%scan3A_10, %dma_wait3A] : memref<79x128xi32, #tpu.memory_space<vmem>> -> memref<1x128xi32, #tpu.memory_space<vmem>>
        %dma_wait3A_18 = tpu.memref_squeeze %dma_wait3A_17 : memref<1x128xi32, #tpu.memory_space<vmem>> -> memref<128xi32, #tpu.memory_space<vmem>>
        %dma_wait3A_19 = arith.constant 0 : i32
        %dma_wait3A_20 = tpu.memref_slice %arg8[%dma_wait3A_19] : memref<20480xf32, #tpu.memory_space<vmem_shared>> -> memref<20480xf32, #tpu.memory_space<vmem_shared>>
        tpu.wait_indirect_dma semaphore(%run_scoped3A : memref<!tpu.dma_semaphore, #tpu.memory_space<semaphore_mem>>) src(%arg7 : memref<128xf32, #tpu.memory_space<vmem>>) dst(%dma_wait3A_20 : memref<20480xf32, #tpu.memory_space<vmem_shared>>)
        tpu.yield
      }) : () -> ()
      %scan3A_12 = arith.constant 0 : i32
      scf.yield %scan3A_12 : i32
    }
    %scan3A_8 = arith.constant 79 : i32
    %barrier3A_9 = arith.constant 0 : index
    tpu.barrier barrier_id(%barrier3A_9)
    "tpu.region"() ({
      %run_scoped3A = tpu.sem_alloc : memref<!tpu.dma_semaphore, #tpu.memory_space<semaphore_mem>>
      %dma_start3A = tpu.memref_slice %arg5[%arg0, %mul3A_2] : memref<2x20480xf32, #tpu.memory_space<hbm>> -> memref<1x1280xf32, #tpu.memory_space<hbm>>
      %dma_start3A_10 = tpu.memref_squeeze %dma_start3A : memref<1x1280xf32, #tpu.memory_space<hbm>> -> memref<1280xf32, #tpu.memory_space<hbm>>
      %dma_start3A_11 = tpu.memref_slice %arg8[%mul3A_2] : memref<20480xf32, #tpu.memory_space<vmem_shared>> -> memref<1280xf32, #tpu.memory_space<vmem_shared>>
      tpu.enqueue_dma source(%dma_start3A_11 : memref<1280xf32, #tpu.memory_space<vmem_shared>>) target(%dma_start3A_10 : memref<1280xf32, #tpu.memory_space<hbm>>) target_semaphore(%run_scoped3A : memref<!tpu.dma_semaphore, #tpu.memory_space<semaphore_mem>>)
      %dma_wait3A = tpu.memref_slice %arg5[%arg0, %mul3A_2] : memref<2x20480xf32, #tpu.memory_space<hbm>> -> memref<1x1280xf32, #tpu.memory_space<hbm>>
      %dma_wait3A_12 = tpu.memref_squeeze %dma_wait3A : memref<1x1280xf32, #tpu.memory_space<hbm>> -> memref<1280xf32, #tpu.memory_space<hbm>>
      %dma_wait3A_13 = tpu.memref_slice %arg8[%mul3A_2] : memref<20480xf32, #tpu.memory_space<vmem_shared>> -> memref<1280xf32, #tpu.memory_space<vmem_shared>>
      tpu.wait_dma2 semaphore(%run_scoped3A : memref<!tpu.dma_semaphore, #tpu.memory_space<semaphore_mem>>) src(%dma_wait3A_13 : memref<1280xf32, #tpu.memory_space<vmem_shared>>) dst(%dma_wait3A_12 : memref<1280xf32, #tpu.memory_space<hbm>>)
      tpu.yield
    }) : () -> ()
    return
  }
}

#map = affine_map<(d0, d1) -> (0, 0)>
#map1 = affine_map<(d0, d1) -> (0, 0, 0)>
module attributes {stable_mosaic.version = 14 : i64} {
  func.func @aggk(%arg0: i32, %arg1: i32, %arg2: memref<10240x128xf32, #tpu.memory_space<hbm>>, %arg3: memref<10240x128xf32, #tpu.memory_space<hbm>>, %arg4: memref<16x79x128xi32, #tpu.memory_space<hbm>>, %arg5: memref<16x79x128xi32, #tpu.memory_space<hbm>>, %arg6: memref<10240x128xf32, #tpu.memory_space<hbm>>, %arg7: memref<10240x128xf32, #tpu.memory_space<hbm>>, %arg8: memref<10240x128xf32, #tpu.memory_space<hbm>>, %arg9: memref<79x128xi32, #tpu.memory_space<vmem>>, %arg10: memref<79x128xi32, #tpu.memory_space<vmem>>, %arg11: memref<128x128xf32, #tpu.memory_space<vmem>>, %arg12: memref<10240x128xf32, #tpu.memory_space<vmem_shared>>, %arg13: memref<!tpu.dma_semaphore, #tpu.memory_space<semaphore_mem>>) attributes {dimension_semantics = [#tpu.dimension_semantics<core_parallel>, #tpu.dimension_semantics<subcore_parallel>], iteration_bounds = array<i64: 2, 16>, scalar_prefetch = 0 : i64, scratch_operands = 5 : i64, tpu.core_type = #tpu.core_type<sc_vector_subcore>, window_params = [{transform_indices = #map}, {transform_indices = #map}, {transform_indices = #map1}, {transform_indices = #map1}, {transform_indices = #map}, {transform_indices = #map}, {transform_indices = #map}]} {
    "tpu.region"() ({
      %run_scoped3A = tpu.sem_alloc : memref<!tpu.dma_semaphore, #tpu.memory_space<semaphore_mem>>
      %dma_start3A = arith.constant 0 : i32
      %dma_start3A_19 = arith.constant 0 : i32
      %dma_start3A_20 = tpu.memref_slice %arg4[%arg1, %dma_start3A, %dma_start3A_19] : memref<16x79x128xi32, #tpu.memory_space<hbm>> -> memref<1x79x128xi32, #tpu.memory_space<hbm>>
      %dma_start3A_21 = tpu.memref_squeeze %dma_start3A_20 : memref<1x79x128xi32, #tpu.memory_space<hbm>> -> memref<79x128xi32, #tpu.memory_space<hbm>>
      %dma_start3A_22 = arith.constant 0 : i32
      %dma_start3A_23 = arith.constant 0 : i32
      %dma_start3A_24 = tpu.memref_slice %arg4[%arg1, %dma_start3A_22, %dma_start3A_23] : memref<16x79x128xi32, #tpu.memory_space<hbm>> -> memref<1x79x128xi32, #tpu.memory_space<hbm>>
      %dma_start3A_25 = tpu.memref_squeeze %dma_start3A_24 : memref<1x79x128xi32, #tpu.memory_space<hbm>> -> memref<79x128xi32, #tpu.memory_space<hbm>>
      tpu.enqueue_dma source(%dma_start3A_25 : memref<79x128xi32, #tpu.memory_space<hbm>>) target(%arg9 : memref<79x128xi32, #tpu.memory_space<vmem>>) target_semaphore(%run_scoped3A : memref<!tpu.dma_semaphore, #tpu.memory_space<semaphore_mem>>)
      %dma_wait3A = arith.constant 0 : i32
      %dma_wait3A_26 = arith.constant 0 : i32
      %dma_wait3A_27 = tpu.memref_slice %arg4[%arg1, %dma_wait3A, %dma_wait3A_26] : memref<16x79x128xi32, #tpu.memory_space<hbm>> -> memref<1x79x128xi32, #tpu.memory_space<hbm>>
      %dma_wait3A_28 = tpu.memref_squeeze %dma_wait3A_27 : memref<1x79x128xi32, #tpu.memory_space<hbm>> -> memref<79x128xi32, #tpu.memory_space<hbm>>
      %dma_wait3A_29 = arith.constant 0 : i32
      %dma_wait3A_30 = arith.constant 0 : i32
      %dma_wait3A_31 = tpu.memref_slice %arg4[%arg1, %dma_wait3A_29, %dma_wait3A_30] : memref<16x79x128xi32, #tpu.memory_space<hbm>> -> memref<1x79x128xi32, #tpu.memory_space<hbm>>
      %dma_wait3A_32 = tpu.memref_squeeze %dma_wait3A_31 : memref<1x79x128xi32, #tpu.memory_space<hbm>> -> memref<79x128xi32, #tpu.memory_space<hbm>>
      tpu.wait_dma2 semaphore(%run_scoped3A : memref<!tpu.dma_semaphore, #tpu.memory_space<semaphore_mem>>) src(%dma_wait3A_32 : memref<79x128xi32, #tpu.memory_space<hbm>>) dst(%arg9 : memref<79x128xi32, #tpu.memory_space<vmem>>)
      tpu.yield
    }) : () -> ()
    "tpu.region"() ({
      %run_scoped3A = tpu.sem_alloc : memref<!tpu.dma_semaphore, #tpu.memory_space<semaphore_mem>>
      %dma_start3A = arith.constant 0 : i32
      %dma_start3A_19 = arith.constant 0 : i32
      %dma_start3A_20 = tpu.memref_slice %arg5[%arg1, %dma_start3A, %dma_start3A_19] : memref<16x79x128xi32, #tpu.memory_space<hbm>> -> memref<1x79x128xi32, #tpu.memory_space<hbm>>
      %dma_start3A_21 = tpu.memref_squeeze %dma_start3A_20 : memref<1x79x128xi32, #tpu.memory_space<hbm>> -> memref<79x128xi32, #tpu.memory_space<hbm>>
      %dma_start3A_22 = arith.constant 0 : i32
      %dma_start3A_23 = arith.constant 0 : i32
      %dma_start3A_24 = tpu.memref_slice %arg5[%arg1, %dma_start3A_22, %dma_start3A_23] : memref<16x79x128xi32, #tpu.memory_space<hbm>> -> memref<1x79x128xi32, #tpu.memory_space<hbm>>
      %dma_start3A_25 = tpu.memref_squeeze %dma_start3A_24 : memref<1x79x128xi32, #tpu.memory_space<hbm>> -> memref<79x128xi32, #tpu.memory_space<hbm>>
      tpu.enqueue_dma source(%dma_start3A_25 : memref<79x128xi32, #tpu.memory_space<hbm>>) target(%arg10 : memref<79x128xi32, #tpu.memory_space<vmem>>) target_semaphore(%run_scoped3A : memref<!tpu.dma_semaphore, #tpu.memory_space<semaphore_mem>>)
      %dma_wait3A = arith.constant 0 : i32
      %dma_wait3A_26 = arith.constant 0 : i32
      %dma_wait3A_27 = tpu.memref_slice %arg5[%arg1, %dma_wait3A, %dma_wait3A_26] : memref<16x79x128xi32, #tpu.memory_space<hbm>> -> memref<1x79x128xi32, #tpu.memory_space<hbm>>
      %dma_wait3A_28 = tpu.memref_squeeze %dma_wait3A_27 : memref<1x79x128xi32, #tpu.memory_space<hbm>> -> memref<79x128xi32, #tpu.memory_space<hbm>>
      %dma_wait3A_29 = arith.constant 0 : i32
      %dma_wait3A_30 = arith.constant 0 : i32
      %dma_wait3A_31 = tpu.memref_slice %arg5[%arg1, %dma_wait3A_29, %dma_wait3A_30] : memref<16x79x128xi32, #tpu.memory_space<hbm>> -> memref<1x79x128xi32, #tpu.memory_space<hbm>>
      %dma_wait3A_32 = tpu.memref_squeeze %dma_wait3A_31 : memref<1x79x128xi32, #tpu.memory_space<hbm>> -> memref<79x128xi32, #tpu.memory_space<hbm>>
      tpu.wait_dma2 semaphore(%run_scoped3A : memref<!tpu.dma_semaphore, #tpu.memory_space<semaphore_mem>>) src(%dma_wait3A_32 : memref<79x128xi32, #tpu.memory_space<hbm>>) dst(%arg10 : memref<79x128xi32, #tpu.memory_space<vmem>>)
      tpu.yield
    }) : () -> ()
    %mul3A = arith.constant 640 : i32
    %mul3A_0 = arith.muli %arg1, %mul3A : i32
    "tpu.region"() ({
      %run_scoped3A = tpu.sem_alloc : memref<!tpu.dma_semaphore, #tpu.memory_space<semaphore_mem>>
      %dma_start3A = arith.constant 0 : i32
      %dma_start3A_19 = tpu.memref_slice %arg12[%mul3A_0, %dma_start3A] : memref<10240x128xf32, #tpu.memory_space<vmem_shared>> -> memref<640x128xf32, #tpu.memory_space<vmem_shared>>
      %dma_start3A_20 = arith.constant 0 : i32
      %dma_start3A_21 = tpu.memref_slice %arg6[%mul3A_0, %dma_start3A_20] : memref<10240x128xf32, #tpu.memory_space<hbm>> -> memref<640x128xf32, #tpu.memory_space<hbm>>
      tpu.enqueue_dma source(%dma_start3A_21 : memref<640x128xf32, #tpu.memory_space<hbm>>) target(%dma_start3A_19 : memref<640x128xf32, #tpu.memory_space<vmem_shared>>) target_semaphore(%run_scoped3A : memref<!tpu.dma_semaphore, #tpu.memory_space<semaphore_mem>>)
      %dma_wait3A = arith.constant 0 : i32
      %dma_wait3A_22 = tpu.memref_slice %arg12[%mul3A_0, %dma_wait3A] : memref<10240x128xf32, #tpu.memory_space<vmem_shared>> -> memref<640x128xf32, #tpu.memory_space<vmem_shared>>
      %dma_wait3A_23 = arith.constant 0 : i32
      %dma_wait3A_24 = tpu.memref_slice %arg6[%mul3A_0, %dma_wait3A_23] : memref<10240x128xf32, #tpu.memory_space<hbm>> -> memref<640x128xf32, #tpu.memory_space<hbm>>
      tpu.wait_dma2 semaphore(%run_scoped3A : memref<!tpu.dma_semaphore, #tpu.memory_space<semaphore_mem>>) src(%dma_wait3A_24 : memref<640x128xf32, #tpu.memory_space<hbm>>) dst(%dma_wait3A_22 : memref<640x128xf32, #tpu.memory_space<vmem_shared>>)
      tpu.yield
    }) : () -> ()
    %barrier3A = arith.constant 0 : index
    tpu.barrier barrier_id(%barrier3A)
    %eq3A = arith.constant 0 : i32
    %eq3A_1 = arith.cmpi eq, %arg0, %eq3A : i32
    %convert_element_type3A = arith.extui %eq3A_1 : i1 to i32
    %cond3A = arith.constant 0 : i32
    %cond3A_2 = arith.cmpi ne, %convert_element_type3A, %cond3A : i32
    scf.if %cond3A_2 {
      %scan3A = arith.constant 0 : i32
      %scan3A_19 = arith.constant 0 : i32
      %scan3A_20 = arith.constant 79 : i32
      %scan3A_21 = arith.addi %scan3A_19, %scan3A_20 : i32
      %scan3A_22 = arith.constant 1 : i32
      %scan3A_23 = scf.for %scan3A_25 = %scan3A_19 to %scan3A_21 step %scan3A_22 iter_args(%scan3A_26 = %scan3A) -> (i32)  : i32 {
        %dma_start3A = arith.constant 0 : i32
        %dma_start3A_27 = tpu.memref_slice %arg9[%scan3A_25, %dma_start3A] : memref<79x128xi32, #tpu.memory_space<vmem>> -> memref<1x128xi32, #tpu.memory_space<vmem>>
        %dma_start3A_28 = tpu.memref_squeeze %dma_start3A_27 : memref<1x128xi32, #tpu.memory_space<vmem>> -> memref<128xi32, #tpu.memory_space<vmem>>
        %dma_start3A_29 = arith.constant 0 : i32
        %dma_start3A_30 = arith.constant 0 : i32
        %dma_start3A_31 = tpu.memref_slice %arg2[%dma_start3A_29, %dma_start3A_30] : memref<10240x128xf32, #tpu.memory_space<hbm>> -> memref<10240x128xf32, #tpu.memory_space<hbm>>
        tpu.enqueue_indirect_dma source(%dma_start3A_31 : memref<10240x128xf32, #tpu.memory_space<hbm>>) target(%arg11 : memref<128x128xf32, #tpu.memory_space<vmem>>) offsets(%dma_start3A_28 : memref<128xi32, #tpu.memory_space<vmem>>) semaphore(%arg13 : memref<!tpu.dma_semaphore, #tpu.memory_space<semaphore_mem>>)
        %dma_wait3A = arith.constant 0 : i32
        %dma_wait3A_32 = tpu.memref_slice %arg9[%scan3A_25, %dma_wait3A] : memref<79x128xi32, #tpu.memory_space<vmem>> -> memref<1x128xi32, #tpu.memory_space<vmem>>
        %dma_wait3A_33 = tpu.memref_squeeze %dma_wait3A_32 : memref<1x128xi32, #tpu.memory_space<vmem>> -> memref<128xi32, #tpu.memory_space<vmem>>
        %dma_wait3A_34 = arith.constant 0 : i32
        %dma_wait3A_35 = arith.constant 0 : i32
        %dma_wait3A_36 = tpu.memref_slice %arg2[%dma_wait3A_34, %dma_wait3A_35] : memref<10240x128xf32, #tpu.memory_space<hbm>> -> memref<10240x128xf32, #tpu.memory_space<hbm>>
        tpu.wait_indirect_dma semaphore(%arg13 : memref<!tpu.dma_semaphore, #tpu.memory_space<semaphore_mem>>) src(%dma_wait3A_36 : memref<10240x128xf32, #tpu.memory_space<hbm>>) dst(%arg11 : memref<128x128xf32, #tpu.memory_space<vmem>>)
        "tpu.region"() ({
          %run_scoped3A = tpu.sem_alloc : memref<!tpu.dma_semaphore, #tpu.memory_space<semaphore_mem>>
          %dma_start3A_38 = arith.constant 0 : i32
          %dma_start3A_39 = tpu.memref_slice %arg10[%scan3A_25, %dma_start3A_38] : memref<79x128xi32, #tpu.memory_space<vmem>> -> memref<1x128xi32, #tpu.memory_space<vmem>>
          %dma_start3A_40 = tpu.memref_squeeze %dma_start3A_39 : memref<1x128xi32, #tpu.memory_space<vmem>> -> memref<128xi32, #tpu.memory_space<vmem>>
          %dma_start3A_41 = arith.constant 0 : i32
          %dma_start3A_42 = arith.constant 0 : i32
          %dma_start3A_43 = tpu.memref_slice %arg12[%dma_start3A_41, %dma_start3A_42] : memref<10240x128xf32, #tpu.memory_space<vmem_shared>> -> memref<10240x128xf32, #tpu.memory_space<vmem_shared>>
          tpu.enqueue_indirect_dma source(%arg11 : memref<128x128xf32, #tpu.memory_space<vmem>>) target(%dma_start3A_43 : memref<10240x128xf32, #tpu.memory_space<vmem_shared>>) offsets(%dma_start3A_40 : memref<128xi32, #tpu.memory_space<vmem>>) semaphore(%run_scoped3A : memref<!tpu.dma_semaphore, #tpu.memory_space<semaphore_mem>>) {add = true}
          %dma_wait3A_44 = arith.constant 0 : i32
          %dma_wait3A_45 = tpu.memref_slice %arg10[%scan3A_25, %dma_wait3A_44] : memref<79x128xi32, #tpu.memory_space<vmem>> -> memref<1x128xi32, #tpu.memory_space<vmem>>
          %dma_wait3A_46 = tpu.memref_squeeze %dma_wait3A_45 : memref<1x128xi32, #tpu.memory_space<vmem>> -> memref<128xi32, #tpu.memory_space<vmem>>
          %dma_wait3A_47 = arith.constant 0 : i32
          %dma_wait3A_48 = arith.constant 0 : i32
          %dma_wait3A_49 = tpu.memref_slice %arg12[%dma_wait3A_47, %dma_wait3A_48] : memref<10240x128xf32, #tpu.memory_space<vmem_shared>> -> memref<10240x128xf32, #tpu.memory_space<vmem_shared>>
          tpu.wait_indirect_dma semaphore(%run_scoped3A : memref<!tpu.dma_semaphore, #tpu.memory_space<semaphore_mem>>) src(%arg11 : memref<128x128xf32, #tpu.memory_space<vmem>>) dst(%dma_wait3A_49 : memref<10240x128xf32, #tpu.memory_space<vmem_shared>>)
          tpu.yield
        }) : () -> ()
        %scan3A_37 = arith.constant 0 : i32
        scf.yield %scan3A_37 : i32
      }
      %scan3A_24 = arith.constant 79 : i32
    } else {
    }
    %eq3A_3 = arith.constant 1 : i32
    %eq3A_4 = arith.cmpi eq, %arg0, %eq3A_3 : i32
    %convert_element_type3A_5 = arith.extui %eq3A_4 : i1 to i32
    %cond3A_6 = arith.constant 0 : i32
    %cond3A_7 = arith.cmpi ne, %convert_element_type3A_5, %cond3A_6 : i32
    scf.if %cond3A_7 {
      %scan3A = arith.constant 0 : i32
      %scan3A_19 = arith.constant 0 : i32
      %scan3A_20 = arith.constant 79 : i32
      %scan3A_21 = arith.addi %scan3A_19, %scan3A_20 : i32
      %scan3A_22 = arith.constant 1 : i32
      %scan3A_23 = scf.for %scan3A_25 = %scan3A_19 to %scan3A_21 step %scan3A_22 iter_args(%scan3A_26 = %scan3A) -> (i32)  : i32 {
        %dma_start3A = arith.constant 0 : i32
        %dma_start3A_27 = tpu.memref_slice %arg9[%scan3A_25, %dma_start3A] : memref<79x128xi32, #tpu.memory_space<vmem>> -> memref<1x128xi32, #tpu.memory_space<vmem>>
        %dma_start3A_28 = tpu.memref_squeeze %dma_start3A_27 : memref<1x128xi32, #tpu.memory_space<vmem>> -> memref<128xi32, #tpu.memory_space<vmem>>
        %dma_start3A_29 = arith.constant 0 : i32
        %dma_start3A_30 = arith.constant 0 : i32
        %dma_start3A_31 = tpu.memref_slice %arg3[%dma_start3A_29, %dma_start3A_30] : memref<10240x128xf32, #tpu.memory_space<hbm>> -> memref<10240x128xf32, #tpu.memory_space<hbm>>
        tpu.enqueue_indirect_dma source(%dma_start3A_31 : memref<10240x128xf32, #tpu.memory_space<hbm>>) target(%arg11 : memref<128x128xf32, #tpu.memory_space<vmem>>) offsets(%dma_start3A_28 : memref<128xi32, #tpu.memory_space<vmem>>) semaphore(%arg13 : memref<!tpu.dma_semaphore, #tpu.memory_space<semaphore_mem>>)
        %dma_wait3A = arith.constant 0 : i32
        %dma_wait3A_32 = tpu.memref_slice %arg9[%scan3A_25, %dma_wait3A] : memref<79x128xi32, #tpu.memory_space<vmem>> -> memref<1x128xi32, #tpu.memory_space<vmem>>
        %dma_wait3A_33 = tpu.memref_squeeze %dma_wait3A_32 : memref<1x128xi32, #tpu.memory_space<vmem>> -> memref<128xi32, #tpu.memory_space<vmem>>
        %dma_wait3A_34 = arith.constant 0 : i32
        %dma_wait3A_35 = arith.constant 0 : i32
        %dma_wait3A_36 = tpu.memref_slice %arg3[%dma_wait3A_34, %dma_wait3A_35] : memref<10240x128xf32, #tpu.memory_space<hbm>> -> memref<10240x128xf32, #tpu.memory_space<hbm>>
        tpu.wait_indirect_dma semaphore(%arg13 : memref<!tpu.dma_semaphore, #tpu.memory_space<semaphore_mem>>) src(%dma_wait3A_36 : memref<10240x128xf32, #tpu.memory_space<hbm>>) dst(%arg11 : memref<128x128xf32, #tpu.memory_space<vmem>>)
        "tpu.region"() ({
          %run_scoped3A = tpu.sem_alloc : memref<!tpu.dma_semaphore, #tpu.memory_space<semaphore_mem>>
          %dma_start3A_38 = arith.constant 0 : i32
          %dma_start3A_39 = tpu.memref_slice %arg10[%scan3A_25, %dma_start3A_38] : memref<79x128xi32, #tpu.memory_space<vmem>> -> memref<1x128xi32, #tpu.memory_space<vmem>>
          %dma_start3A_40 = tpu.memref_squeeze %dma_start3A_39 : memref<1x128xi32, #tpu.memory_space<vmem>> -> memref<128xi32, #tpu.memory_space<vmem>>
          %dma_start3A_41 = arith.constant 0 : i32
          %dma_start3A_42 = arith.constant 0 : i32
          %dma_start3A_43 = tpu.memref_slice %arg12[%dma_start3A_41, %dma_start3A_42] : memref<10240x128xf32, #tpu.memory_space<vmem_shared>> -> memref<10240x128xf32, #tpu.memory_space<vmem_shared>>
          tpu.enqueue_indirect_dma source(%arg11 : memref<128x128xf32, #tpu.memory_space<vmem>>) target(%dma_start3A_43 : memref<10240x128xf32, #tpu.memory_space<vmem_shared>>) offsets(%dma_start3A_40 : memref<128xi32, #tpu.memory_space<vmem>>) semaphore(%run_scoped3A : memref<!tpu.dma_semaphore, #tpu.memory_space<semaphore_mem>>) {add = true}
          %dma_wait3A_44 = arith.constant 0 : i32
          %dma_wait3A_45 = tpu.memref_slice %arg10[%scan3A_25, %dma_wait3A_44] : memref<79x128xi32, #tpu.memory_space<vmem>> -> memref<1x128xi32, #tpu.memory_space<vmem>>
          %dma_wait3A_46 = tpu.memref_squeeze %dma_wait3A_45 : memref<1x128xi32, #tpu.memory_space<vmem>> -> memref<128xi32, #tpu.memory_space<vmem>>
          %dma_wait3A_47 = arith.constant 0 : i32
          %dma_wait3A_48 = arith.constant 0 : i32
          %dma_wait3A_49 = tpu.memref_slice %arg12[%dma_wait3A_47, %dma_wait3A_48] : memref<10240x128xf32, #tpu.memory_space<vmem_shared>> -> memref<10240x128xf32, #tpu.memory_space<vmem_shared>>
          tpu.wait_indirect_dma semaphore(%run_scoped3A : memref<!tpu.dma_semaphore, #tpu.memory_space<semaphore_mem>>) src(%arg11 : memref<128x128xf32, #tpu.memory_space<vmem>>) dst(%dma_wait3A_49 : memref<10240x128xf32, #tpu.memory_space<vmem_shared>>)
          tpu.yield
        }) : () -> ()
        %scan3A_37 = arith.constant 0 : i32
        scf.yield %scan3A_37 : i32
      }
      %scan3A_24 = arith.constant 79 : i32
    } else {
    }
    %barrier3A_8 = arith.constant 0 : index
    tpu.barrier barrier_id(%barrier3A_8)
    %eq3A_9 = arith.constant 0 : i32
    %eq3A_10 = arith.cmpi eq, %arg0, %eq3A_9 : i32
    %convert_element_type3A_11 = arith.extui %eq3A_10 : i1 to i32
    %cond3A_12 = arith.constant 0 : i32
    %cond3A_13 = arith.cmpi ne, %convert_element_type3A_11, %cond3A_12 : i32
    scf.if %cond3A_13 {
      "tpu.region"() ({
        %run_scoped3A = tpu.sem_alloc : memref<!tpu.dma_semaphore, #tpu.memory_space<semaphore_mem>>
        %dma_start3A = arith.constant 0 : i32
        %dma_start3A_19 = tpu.memref_slice %arg7[%mul3A_0, %dma_start3A] : memref<10240x128xf32, #tpu.memory_space<hbm>> -> memref<640x128xf32, #tpu.memory_space<hbm>>
        %dma_start3A_20 = arith.constant 0 : i32
        %dma_start3A_21 = tpu.memref_slice %arg12[%mul3A_0, %dma_start3A_20] : memref<10240x128xf32, #tpu.memory_space<vmem_shared>> -> memref<640x128xf32, #tpu.memory_space<vmem_shared>>
        tpu.enqueue_dma source(%dma_start3A_21 : memref<640x128xf32, #tpu.memory_space<vmem_shared>>) target(%dma_start3A_19 : memref<640x128xf32, #tpu.memory_space<hbm>>) target_semaphore(%run_scoped3A : memref<!tpu.dma_semaphore, #tpu.memory_space<semaphore_mem>>)
        %dma_wait3A = arith.constant 0 : i32
        %dma_wait3A_22 = tpu.memref_slice %arg7[%mul3A_0, %dma_wait3A] : memref<10240x128xf32, #tpu.memory_space<hbm>> -> memref<640x128xf32, #tpu.memory_space<hbm>>
        %dma_wait3A_23 = arith.constant 0 : i32
        %dma_wait3A_24 = tpu.memref_slice %arg12[%mul3A_0, %dma_wait3A_23] : memref<10240x128xf32, #tpu.memory_space<vmem_shared>> -> memref<640x128xf32, #tpu.memory_space<vmem_shared>>
        tpu.wait_dma2 semaphore(%run_scoped3A : memref<!tpu.dma_semaphore, #tpu.memory_space<semaphore_mem>>) src(%dma_wait3A_24 : memref<640x128xf32, #tpu.memory_space<vmem_shared>>) dst(%dma_wait3A_22 : memref<640x128xf32, #tpu.memory_space<hbm>>)
        tpu.yield
      }) : () -> ()
    } else {
    }
    %eq3A_14 = arith.constant 1 : i32
    %eq3A_15 = arith.cmpi eq, %arg0, %eq3A_14 : i32
    %convert_element_type3A_16 = arith.extui %eq3A_15 : i1 to i32
    %cond3A_17 = arith.constant 0 : i32
    %cond3A_18 = arith.cmpi ne, %convert_element_type3A_16, %cond3A_17 : i32
    scf.if %cond3A_18 {
      "tpu.region"() ({
        %run_scoped3A = tpu.sem_alloc : memref<!tpu.dma_semaphore, #tpu.memory_space<semaphore_mem>>
        %dma_start3A = arith.constant 0 : i32
        %dma_start3A_19 = tpu.memref_slice %arg8[%mul3A_0, %dma_start3A] : memref<10240x128xf32, #tpu.memory_space<hbm>> -> memref<640x128xf32, #tpu.memory_space<hbm>>
        %dma_start3A_20 = arith.constant 0 : i32
        %dma_start3A_21 = tpu.memref_slice %arg12[%mul3A_0, %dma_start3A_20] : memref<10240x128xf32, #tpu.memory_space<vmem_shared>> -> memref<640x128xf32, #tpu.memory_space<vmem_shared>>
        tpu.enqueue_dma source(%dma_start3A_21 : memref<640x128xf32, #tpu.memory_space<vmem_shared>>) target(%dma_start3A_19 : memref<640x128xf32, #tpu.memory_space<hbm>>) target_semaphore(%run_scoped3A : memref<!tpu.dma_semaphore, #tpu.memory_space<semaphore_mem>>)
        %dma_wait3A = arith.constant 0 : i32
        %dma_wait3A_22 = tpu.memref_slice %arg8[%mul3A_0, %dma_wait3A] : memref<10240x128xf32, #tpu.memory_space<hbm>> -> memref<640x128xf32, #tpu.memory_space<hbm>>
        %dma_wait3A_23 = arith.constant 0 : i32
        %dma_wait3A_24 = tpu.memref_slice %arg12[%mul3A_0, %dma_wait3A_23] : memref<10240x128xf32, #tpu.memory_space<vmem_shared>> -> memref<640x128xf32, #tpu.memory_space<vmem_shared>>
        tpu.wait_dma2 semaphore(%run_scoped3A : memref<!tpu.dma_semaphore, #tpu.memory_space<semaphore_mem>>) src(%dma_wait3A_24 : memref<640x128xf32, #tpu.memory_space<vmem_shared>>) dst(%dma_wait3A_22 : memref<640x128xf32, #tpu.memory_space<hbm>>)
        tpu.yield
      }) : () -> ()
    } else {
    }
    return
  }
}

module attributes {stable_mosaic.version = 14 : i64} {
  func.func @_h_body(%arg0: i32, %arg1: memref<512x256xf32, #tpu.memory_space<vmem>>, %arg2: memref<2x2x512xf32, #tpu.memory_space<vmem>>, %arg3: memref<512x128xf32, #tpu.memory_space<vmem>>, %arg4: memref<512x128xf32, #tpu.memory_space<vmem>>) attributes {dimension_semantics = [#tpu.dimension_semantics<arbitrary>], iteration_bounds = array<i64: 20>, scalar_prefetch = 0 : i64, scratch_operands = 0 : i64, tpu.core_type = #tpu.core_type<tc>, window_params = [{transform_indices = @transform_0, window_bounds = array<i64: 512, 256>}, {transform_indices = @transform_1, window_bounds = array<i64: 2, 2, 512>}, {transform_indices = @transform_2, window_bounds = array<i64: 512, 128>}, {transform_indices = @transform_3, window_bounds = array<i64: 512, 128>}]} {
    %get3A = arith.constant 0 : index
    %get3A_0 = arith.constant 0 : index
    %get3A_1 = arith.constant 0 : index
    %get3A_2 = vector.load %arg2[%get3A, %get3A_0, %get3A_1] : memref<2x2x512xf32, #tpu.memory_space<vmem>>, vector<2x2x512xf32>
    %slice3A = vector.extract_strided_slice %get3A_2 {offsets = [0, 0, 0], sizes = [1, 1, 512], strides = [1, 1, 1]} : vector<2x2x512xf32> to vector<1x1x512xf32>
    %squeeze3A = vector.shape_cast %slice3A : vector<1x1x512xf32> to vector<512xf32>
    %slice3A_3 = vector.extract_strided_slice %get3A_2 {offsets = [1, 0, 0], sizes = [1, 1, 512], strides = [1, 1, 1]} : vector<2x2x512xf32> to vector<1x1x512xf32>
    %squeeze3A_4 = vector.shape_cast %slice3A_3 : vector<1x1x512xf32> to vector<512xf32>
    %add3A = arith.addf %squeeze3A, %squeeze3A_4 : vector<512xf32>
    %max3A = arith.constant 1.000000e+00 : f32
    %max3A_5 = vector.broadcast %max3A : f32 to vector<512xf32>
    %max3A_6 = arith.maximumf %add3A, %max3A_5 : vector<512xf32>
    %rsqrt3A = math.rsqrt %max3A_6 : vector<512xf32>
    %get3A_7 = arith.constant 0 : index
    %get3A_8 = arith.constant 0 : index
    %get3A_9 = vector.load %arg1[%get3A_7, %get3A_8] : memref<512x256xf32, #tpu.memory_space<vmem>>, vector<512x256xf32>
    %broadcast_in_dim3A = vector.shape_cast %rsqrt3A : vector<512xf32> to vector<512x1xf32>
    %mul3A = vector.broadcast %broadcast_in_dim3A : vector<512x1xf32> to vector<512x256xf32>
    %mul3A_10 = arith.mulf %get3A_9, %mul3A : vector<512x256xf32>
    %slice3A_11 = vector.extract_strided_slice %mul3A_10 {offsets = [0, 0], sizes = [512, 128], strides = [1, 1]} : vector<512x256xf32> to vector<512x128xf32>
    %swap3A = arith.constant 0 : index
    %swap3A_12 = arith.constant 0 : index
    %swap3A_13 = vector.load %arg3[%swap3A, %swap3A_12] : memref<512x128xf32, #tpu.memory_space<vmem>>, vector<512x128xf32>
    tpu.vector_store %arg3[%swap3A, %swap3A_12], %slice3A_11 {strides = array<i32>} : memref<512x128xf32, #tpu.memory_space<vmem>>, vector<512x128xf32>,
    %slice3A_14 = vector.extract_strided_slice %mul3A_10 {offsets = [0, 128], sizes = [512, 128], strides = [1, 1]} : vector<512x256xf32> to vector<512x128xf32>
    %swap3A_15 = arith.constant 0 : index
    %swap3A_16 = arith.constant 0 : index
    %swap3A_17 = vector.load %arg4[%swap3A_15, %swap3A_16] : memref<512x128xf32, #tpu.memory_space<vmem>>, vector<512x128xf32>
    tpu.vector_store %arg4[%swap3A_15, %swap3A_16], %slice3A_14 {strides = array<i32>} : memref<512x128xf32, #tpu.memory_space<vmem>>, vector<512x128xf32>,
    return
  }
  func.func @transform_0(%arg0: i32) -> (i32, i32) {
    %c0_i32 = arith.constant 0 : i32
    %c0_i32_0 = arith.constant 0 : i32
    return %arg0, %c0_i32 : i32, i32
  }
  func.func @transform_1(%arg0: i32) -> (i32, i32, i32) {
    %c0_i32 = arith.constant 0 : i32
    %c0_i32_0 = arith.constant 0 : i32
    %c0_i32_1 = arith.constant 0 : i32
    return %c0_i32, %c0_i32_0, %arg0 : i32, i32, i32
  }
  func.func @transform_2(%arg0: i32) -> (i32, i32) {
    %c0_i32 = arith.constant 0 : i32
    %c0_i32_0 = arith.constant 0 : i32
    return %arg0, %c0_i32 : i32, i32
  }
  func.func @transform_3(%arg0: i32) -> (i32, i32) {
    %c0_i32 = arith.constant 0 : i32
    %c0_i32_0 = arith.constant 0 : i32
    return %arg0, %c0_i32 : i32, i32
  }
}

module attributes {stable_mosaic.version = 14 : i64} {
  func.func @_out_body(%arg0: i32, %arg1: memref<1x1xf32, #tpu.memory_space<smem>>, %arg2: memref<512x128xf32, #tpu.memory_space<vmem>>, %arg3: memref<512x128xf32, #tpu.memory_space<vmem>>, %arg4: memref<2x2x512xf32, #tpu.memory_space<vmem>>, %arg5: memref<512x256xf32, #tpu.memory_space<vmem>>, %arg6: memref<256x256xf32, #tpu.memory_space<vmem>>, %arg7: memref<512x256xf32, #tpu.memory_space<vmem>>) attributes {dimension_semantics = [#tpu.dimension_semantics<arbitrary>], iteration_bounds = array<i64: 20>, scalar_prefetch = 0 : i64, scratch_operands = 0 : i64, tpu.core_type = #tpu.core_type<tc>, window_params = [{transform_indices = @transform_0, window_bounds = array<i64: 1, 1>}, {transform_indices = @transform_1, window_bounds = array<i64: 512, 128>}, {transform_indices = @transform_2, window_bounds = array<i64: 512, 128>}, {transform_indices = @transform_3, window_bounds = array<i64: 2, 2, 512>}, {transform_indices = @transform_4, window_bounds = array<i64: 512, 256>}, {pipeline_mode = #tpu.pipeline_mode<synchronous>, transform_indices = @transform_5, window_bounds = array<i64: 256, 256>}, {transform_indices = @transform_6, window_bounds = array<i64: 512, 256>}]} {
    %get3A = arith.constant 0 : index
    %get3A_0 = arith.constant 0 : index
    %get3A_1 = arith.constant 0 : index
    %get3A_2 = vector.load %arg4[%get3A, %get3A_0, %get3A_1] : memref<2x2x512xf32, #tpu.memory_space<vmem>>, vector<2x2x512xf32>
    %slice3A = vector.extract_strided_slice %get3A_2 {offsets = [0, 1, 0], sizes = [1, 1, 512], strides = [1, 1, 1]} : vector<2x2x512xf32> to vector<1x1x512xf32>
    %squeeze3A = vector.shape_cast %slice3A : vector<1x1x512xf32> to vector<512xf32>
    %slice3A_3 = vector.extract_strided_slice %get3A_2 {offsets = [1, 1, 0], sizes = [1, 1, 512], strides = [1, 1, 1]} : vector<2x2x512xf32> to vector<1x1x512xf32>
    %squeeze3A_4 = vector.shape_cast %slice3A_3 : vector<1x1x512xf32> to vector<512xf32>
    %add3A = arith.addf %squeeze3A, %squeeze3A_4 : vector<512xf32>
    %max3A = arith.constant 1.000000e+00 : f32
    %max3A_5 = vector.broadcast %max3A : f32 to vector<512xf32>
    %max3A_6 = arith.maximumf %add3A, %max3A_5 : vector<512xf32>
    %rsqrt3A = math.rsqrt %max3A_6 : vector<512xf32>
    %broadcast_in_dim3A = vector.shape_cast %rsqrt3A : vector<512xf32> to vector<512x1xf32>
    %get3A_7 = arith.constant 0 : index
    %get3A_8 = arith.constant 0 : index
    %get3A_9 = vector.load %arg2[%get3A_7, %get3A_8] : memref<512x128xf32, #tpu.memory_space<vmem>>, vector<512x128xf32>
    %get3A_10 = arith.constant 0 : index
    %get3A_11 = arith.constant 0 : index
    %get3A_12 = vector.load %arg3[%get3A_10, %get3A_11] : memref<512x128xf32, #tpu.memory_space<vmem>>, vector<512x128xf32>
    %concatenate3A = tpu.concatenate %get3A_9, %get3A_12 in 1 : vector<512x128xf32>, vector<512x128xf32> -> vector<512x256xf32>
    %mul3A = vector.broadcast %broadcast_in_dim3A : vector<512x1xf32> to vector<512x256xf32>
    %mul3A_13 = arith.mulf %concatenate3A, %mul3A : vector<512x256xf32>
    %mul3A_14 = arith.constant 0.899999976 : f32
    %mul3A_15 = vector.broadcast %mul3A_14 : f32 to vector<512x256xf32>
    %mul3A_16 = arith.mulf %mul3A_15, %mul3A_13 : vector<512x256xf32>
    %get3A_17 = arith.constant 0 : index
    %get3A_18 = arith.constant 0 : index
    %get3A_19 = vector.load %arg5[%get3A_17, %get3A_18] : memref<512x256xf32, #tpu.memory_space<vmem>>, vector<512x256xf32>
    %mul3A_20 = arith.constant 1.000000e-01 : f32
    %mul3A_21 = vector.broadcast %mul3A_20 : f32 to vector<512x256xf32>
    %mul3A_22 = arith.mulf %mul3A_21, %get3A_19 : vector<512x256xf32>
    %add3A_23 = arith.addf %mul3A_16, %mul3A_22 : vector<512x256xf32>
    %get3A_24 = arith.constant 0 : index
    %get3A_25 = arith.constant 0 : index
    %get3A_26 = memref.load %arg1[%get3A_24, %get3A_25] : memref<1x1xf32, #tpu.memory_space<smem>>
    %get3A_27 = arith.constant 0 : index
    %get3A_28 = arith.constant 0 : index
    %get3A_29 = vector.load %arg6[%get3A_27, %get3A_28] : memref<256x256xf32, #tpu.memory_space<vmem>>, vector<256x256xf32>
    %dot_general3A = arith.constant dense<0.000000e+00> : vector<512x256xf32>
    %dot_general3A_30 = tpu.matmul %add3A_23, %get3A_29, %dot_general3A {dimension_numbers = #tpu.dot_dimension_numbers<[1], [0], [0], [1], [0, 0, 1, 1], [], []>, transpose_lhs_hint = false} : vector<512x256xf32>, vector<256x256xf32>, vector<512x256xf32> -> vector<512x256xf32>
    %mul3A_31 = vector.broadcast %get3A_26 : f32 to vector<512x256xf32>
    %mul3A_32 = arith.mulf %mul3A_31, %dot_general3A_30 : vector<512x256xf32>
    %sub3A = arith.constant 1.000000e+00 : f32
    %sub3A_33 = arith.subf %sub3A, %get3A_26 : f32
    %mul3A_34 = vector.broadcast %sub3A_33 : f32 to vector<512x256xf32>
    %mul3A_35 = arith.mulf %mul3A_34, %add3A_23 : vector<512x256xf32>
    %add3A_36 = arith.addf %mul3A_32, %mul3A_35 : vector<512x256xf32>
    %swap3A = arith.constant 0 : index
    %swap3A_37 = arith.constant 0 : index
    %swap3A_38 = vector.load %arg7[%swap3A, %swap3A_37] : memref<512x256xf32, #tpu.memory_space<vmem>>, vector<512x256xf32>
    tpu.vector_store %arg7[%swap3A, %swap3A_37], %add3A_36 {strides = array<i32>} : memref<512x256xf32, #tpu.memory_space<vmem>>, vector<512x256xf32>,
    return
  }
  func.func @transform_0(%arg0: i32) -> (i32, i32) {
    %c0_i32 = arith.constant 0 : i32
    %c0_i32_0 = arith.constant 0 : i32
    %c0_i32_1 = arith.constant 0 : i32
    return %c0_i32, %c0_i32_0 : i32, i32
  }
  func.func @transform_1(%arg0: i32) -> (i32, i32) {
    %c0_i32 = arith.constant 0 : i32
    %c0_i32_0 = arith.constant 0 : i32
    return %arg0, %c0_i32 : i32, i32
  }
  func.func @transform_2(%arg0: i32) -> (i32, i32) {
    %c0_i32 = arith.constant 0 : i32
    %c0_i32_0 = arith.constant 0 : i32
    return %arg0, %c0_i32 : i32, i32
  }
  func.func @transform_3(%arg0: i32) -> (i32, i32, i32) {
    %c0_i32 = arith.constant 0 : i32
    %c0_i32_0 = arith.constant 0 : i32
    %c0_i32_1 = arith.constant 0 : i32
    return %c0_i32, %c0_i32_0, %arg0 : i32, i32, i32
  }
  func.func @transform_4(%arg0: i32) -> (i32, i32) {
    %c0_i32 = arith.constant 0 : i32
    %c0_i32_0 = arith.constant 0 : i32
    return %arg0, %c0_i32 : i32, i32
  }
  func.func @transform_5(%arg0: i32) -> (i32, i32) {
    %c0_i32 = arith.constant 0 : i32
    %c0_i32_0 = arith.constant 0 : i32
    %c0_i32_1 = arith.constant 0 : i32
    return %c0_i32, %c0_i32_0 : i32, i32
  }
  func.func @transform_6(%arg0: i32) -> (i32, i32) {
    %c0_i32 = arith.constant 0 : i32
    %c0_i32_0 = arith.constant 0 : i32
    return %arg0, %c0_i32 : i32, i32
  }
}

</mosaic_0001>

<sc_bundles>
// kernel: kernel.6.cloned.1.call-start
scs
__scs_entry_jumppad:
0x0: {  	(pc) =	sbr.rel $0x88, $3  }
0x1: {  	(tag) =	ssettag $0x0;
	lr =	simm.s32 $0x1  }
0x2: {  	[smem:$0x3F9C] =	sst lr;
	_ =	strace $0xD0000000  }
0x3: {  	_ = 	snop  }
0x4: {  	_ = 	snop  }
0x5: {  	_ = 	snop  }
0x6: {  	_ = 	snop  }
0x7: {  	_ = 	snop  }
__scs_overlays_trampoline_lowered:
0x8: {  	[smem:$0x3FAB] =	sst s0  }
0x9: {  	[smem:$0x3FAC] =	sst s1  }
0xa: {  	[smem:$0x3FAD] =	sst s2  }
0xb: {  	[smem:$0x3FAE] =	sst s3  }
0xc: {  	[smem:$0x3FAF] =	sst s4  }
0xd: {  	[smem:$0x3FB0] =	sst s5  }
0xe: {  	[smem:$0x3FB1] =	sst s6  }
0xf: {  	[smem:$0x3FB2] =	sst s7  }
0x10: {  	[smem:$0x3FB3] =	sst s8  }
0x11: {  	[smem:$0x3FB4] =	sst s9;
	s0 =	simm.s32 @!p0 $0x0  }
0x12: {  	s1 =	sld [smem:$0x3F9A];
	s0 =	simm.s32 @p0 $0x1  }
0x13: {  	[smem:$0x3FB5] =	sst s0;
	s0 =	simm.s32 @!p1 $0x0  }
0x14: {  	s2 =	sld [smem:$0x3F99];
	s0 =	simm.s32 @p1 $0x1  }
0x15: {  	[smem:$0x3FB6] =	sst s0;
	s0 =	simm.s32 @!p2 $0x0  }
0x16: {  	s3 =	sld [smem:$0x3FDB];
	s0 =	simm.s32 @p2 $0x1  }
0x17: {  	s4 =	simm.s32 $0x1BF5;
	[smem:$0x3FB8] =	sst s0  }
0x18: {  	s0 =	sld [smem:$0x3F9B];
	_ =	swait.ge [sflag:s4], $0x0  }
0x19: {  	s7 =	sld [smem:$0x3F9C]  }
0x1a: {  	s8 =	sadd.s32 $0xFFFFE003, lr  }
0x1b: {  	s9 =	sadd.s32 $0xFFFFFEF7, lr;
	s5 =	simm.s32 $0xFFFFFFFF;
	p2 =	slt.u32 s8, $0xFFFFF086  }
0x1c: {  	p1 =	slt.u32 s9, $0xF7A;
	s5 =	simm.s32 @!p2 $0x0  }
0x1d: {  	s5 =	simm.s32 @p1 $0x1;
	p0 =	seq.s32 s7, s2  }
0x1e: {  	s7 =	smul.u32 @!p0 $0xF7A, s2;
	p2 =	seq.s32 @!p0 s5, $0x0  }
0x1f: {  	s9 =	smul.u32 $0xF7A, s1;
	s8 =	simm.s32 @!p0 $0x1BF5;
	p2 =	por !p2, p0  }
0x20: {  	[sflag:s8] =	ssyncset.s32 @!p0 $0xFFFFF086;
	s6 =	sadd.s32 @!p0 s3, s7;
	s7 =	simm.s32 @!p0 $0x108  }
0x21: {  	s3 =	sadd.s32 s3, s9;
	s6 =	sadd.s32 @!p0 $0x88, s6;
	s7 =	simm.s32 @p2 $0x1082  }
0x22: {  	[simem:s7], [sflag:s8] =	dma.local @!p0 [hbm:s6], $0xF7A  }
0x23: {  	s9 =	sor.u32 $0xD0000000, s2;
	s6 =	simm.s32 $0x108;
	_ =	swait.ge @!p0 [sflag:s8], $0x0  }
0x24: {  	s3 =	sadd.s32 $0x88, s3;
	s6 =	simm.s32 @!p1 $0x1082;
	[sflag:s4] =	ssyncset.s32 $0xFFFFF086  }
0x25: {  	[simem:s6], [sflag:s4] =	dma.local [hbm:s3], $0xF7A  }
0x26: {  	[smem:$0x3F9C] =	sst s1;
	(tag) =	ssettag s2;
	_ =	strace s9  }
0x27: {  	s1 =	sld [smem:$0x3FAC]  }
0x28: {  	s2 =	sld [smem:$0x3FAD]  }
0x29: {  	s4 =	sld [smem:$0x3FAF]  }
0x2a: {  	p0 =	seq.s32 s5, $0x0;
	s5 =	sld [smem:$0x3FB0]  }
0x2b: {  	s6 =	sld [smem:$0x3FB1]  }
0x2c: {  	s7 =	sld [smem:$0x3FB2]  }
0x2d: {  	s3 =	simm.s32 $0x108;
	s8 =	sld [smem:$0x3FB3]  }
0x2e: {  	s3 =	simm.s32 @!p0 $0x1082;
	s9 =	sld [smem:$0x3FB4]  }
0x2f: {  	lr =	sadd.s32 s0, s3;
	s0 =	sld [smem:$0x3FAB]  }
0x30: {  	s3 =	sld [smem:$0x3FAE]  }
0x31: {  	[smem:$0x3FB7] =	sst s10  }
0x32: {  	s10 =	sld [smem:$0x3FB5];
	_ =	sdelay $0x3  }
0x33: {  	p0 =	seq.s32 s10, $0x1;
	s10 =	sld [smem:$0x3FB7];
	_ =	sdelay $0x3  }
0x34: {  	[smem:$0x3FB7] =	sst s10  }
0x35: {  	s10 =	sld [smem:$0x3FB6];
	_ =	sdelay $0x3  }
0x36: {  	p1 =	seq.s32 s10, $0x1;
	s10 =	sld [smem:$0x3FB7];
	_ =	sdelay $0x3  }
0x37: {  	[smem:$0x3FB7] =	sst s10  }
0x38: {  	s10 =	sld [smem:$0x3FB8]  }
0x39: {  	_ = 	snop;
	(pc) =	sbr.ind lr, $3  }
0x3a: {  	_ = 	snop  }
0x3b: {  	_ = 	snop  }
0x3c: {  	p2 =	seq.s32 s10, $0x1;
	s10 =	sld [smem:$0x3FB7]  }
0x3d: {  	_ =	shalt  }
0x3e: {  	_ =	shalt  }
0x3f: {  	_ =	shalt  }
0x40: {  	_ =	shalt  }
0x41: {  	_ =	shalt  }
0x42: {  	_ =	shalt  }
0x43: {  	_ =	shalt  }
0x44: {  	_ =	shalt  }
0x45: {  	_ =	shalt  }
0x46: {  	_ =	shalt  }
0x47: {  	_ =	shalt  }
0x48: {  	_ =	shalt  }
0x49: {  	_ =	shalt  }
0x4a: {  	_ =	shalt  }
0x4b: {  	_ =	shalt  }
0x4c: {  	_ =	shalt  }
0x4d: {  	_ =	shalt  }
0x4e: {  	_ =	shalt  }
0x4f: {  	_ =	shalt  }
0x50: {  	_ =	shalt  }
0x51: {  	_ =	shalt  }
0x52: {  	_ =	shalt  }
0x53: {  	_ =	shalt  }
0x54: {  	_ =	shalt  }
0x55: {  	_ =	shalt  }
0x56: {  	_ =	shalt  }
0x57: {  	_ =	shalt  }
0x58: {  	_ =	shalt  }
0x59: {  	_ =	shalt  }
0x5a: {  	_ =	shalt  }
0x5b: {  	_ =	shalt  }
0x5c: {  	_ =	shalt  }
0x5d: {  	_ =	shalt  }
0x5e: {  	_ =	shalt  }
0x5f: {  	_ =	shalt  }
0x60: {  	_ =	shalt  }
0x61: {  	_ =	shalt  }
0x62: {  	_ =	shalt  }
0x63: {  	_ =	shalt  }
0x64: {  	_ =	shalt  }
0x65: {  	_ =	shalt  }
0x66: {  	_ =	shalt  }
0x67: {  	_ =	shalt  }
0x68: {  	_ =	shalt  }
0x69: {  	_ =	shalt  }
0x6a: {  	_ =	shalt  }
0x6b: {  	_ =	shalt  }
0x6c: {  	_ =	shalt  }
0x6d: {  	_ =	shalt  }
0x6e: {  	_ =	shalt  }
0x6f: {  	_ =	shalt  }
0x70: {  	_ =	shalt  }
0x71: {  	_ =	shalt  }
0x72: {  	_ =	shalt  }
0x73: {  	_ =	shalt  }
0x74: {  	_ =	shalt  }
0x75: {  	_ =	shalt  }
0x76: {  	_ =	shalt  }
0x77: {  	_ =	shalt  }
0x78: {  	_ =	shalt  }
0x79: {  	_ =	shalt  }
0x7a: {  	_ =	shalt  }
0x7b: {  	_ =	shalt  }
0x7c: {  	_ =	shalt  }
0x7d: {  	_ =	shalt  }
0x7e: {  	_ =	shalt  }
0x7f: {  	_ =	shalt  }
0x80: {  	_ =	shalt  }
0x81: {  	_ =	shalt  }
0x82: {  	_ =	shalt  }
0x83: {  	_ =	shalt  }
0x84: {  	_ =	shalt  }
0x85: {  	_ =	shalt  }
0x86: {  	_ =	shalt  }
0x87: {  	_ =	shalt  }
.Lfunc_end0:
.L_simem_size_0:
called_computation_lowered:
.L_overlay_start_0:
0x88: {  	s2 =	sld [smem:$0x3FD9]  }
0x89: {  	s3 =	sld [smem:$0x3FFE];
	_ =	sdelay $0x1  }
0x8a: {  	s1 =	srdreg.scid  }
0x8b: {  	s0 =	sand.u32 $0x1, s1  }
0x8c: {  	s17 =	sshll.u32 s0, $0xA;
	s2 =	sadd.s32 s3, s2  }
0x8d: {  	s2 =	sadd.s32 s2, s17  }
0x8e: {  	[smem:$0x3FC3] =	sst s2  }
0x8f: {  	_ = 	snop  }
0x90: {  	s2 =	sld [smem:$0x3FD0];
	(tm) =	ssettm $0x1  }
0x91: {  	s18 =	sld [smem:$0x3FFB];
	_ =	sdelay $0x3  }
0x92: {  	_ =	strace s18  }
0x93: {  	s3 =	sld [smem:$0x3FFC];
	_ =	sdelay $0x3  }
0x94: {  	_ =	strace s3  }
0x95: {  	s3 =	sld [smem:$0x3FFD];
	_ =	sdelay $0x3  }
0x96: {  	_ =	strace s3  }
0x97: {  	_ =	strace $0x8FFFFFFF  }
0x98: {  	s19 =	sld [smem:$0x3FDB];
	_ =	sdelay $0x1  }
0x99: {  	s4 =	simm.s32 $_scs_section_size  }
0x9a: {  	s5 =	simm.s32 $_size__tile_overlayer_lowered;
	s6 =	simm.s32 $_tile_overlayer_lowered  }
0x9b: {  	s22 =	simm.s32 $0x1BFF;
	s21 =	sshll.u32 s6, $0x1;
	s3 =	sadd.s32 s4, s19  }
0x9c: {  	s7 =	simm.s32 $0x0;
	s20 =	sshll.u32 s5, $0x1;
	s5 =	sadd.s32 s21, s3  }
0x9d: {  	[timem:s7], [sflag:s22] =	dma.local [hbm:s5], s20  }
0x9e: {  	_ =	swait.ge [sflag:s22], s20  }
0x9f: {  	s4 =	ssub.s32 $0x0, s20;
	[sflag:s22] =	ssyncset.done $0x0  }
0xa0: {  	[sflag:s22] =	ssyncadd.s32 s4;
	_ =	sdelay $0x1  }
0xa1: {  	s23 =	simm.s32 $0x1B8B  }
0xa2: {  	_ =	swait.ge [sflag:s23], $0x1  }
0xa3: {  	[sflag:s23] =	ssyncset.done $0x0  }
0xa4: {  	s25 =	simm.s32 $0x1B8E;
	s24 =	sld [smem:$0x3FFE];
	[sflag:s23] =	ssyncadd.s32 $0xFFFFFFFF  }
0xa5: {  	s26 =	simm.s32 $execute0_lowered;
	[smem:$0x3FD2] =	sst s25  }
0xa6: {  	s5 =	sshll.u32 s26, $0x1;
	_ =	strace $0x80000046;
	[dreg:$0x1] =	wrdreg $0xFFFFFFFF  }
0xa7: {  	s28 =	simm.s32 $_size_execute0_lowered;
	s3 =	sadd.s32 s3, s5;
	[dreg:$0x0] =	wrdreg $0x0  }
0xa8: {  	s5 =	sshll.u32 s28, $0x1;
	[dreg:$0x2] =	wrdreg s3  }
0xa9: {  	[dreg:$0x3] =	wrdreg s5  }
0xaa: {  	[dreg:$0x4] =	wrdreg $0xC0  }
0xab: {  	_ =	task [dreg:s7], $0x5FFFF  }
0xac: {  	[dreg:$0x1] =	wrdreg $0xFFFFFFFF  }
0xad: {  	[dreg:$0x0] =	wrdreg $0x60  }
0xae: {  	[dreg:$0x2] =	wrdreg s2  }
0xaf: {  	[dreg:$0x3] =	wrdreg s24  }
0xb0: {  	[dreg:$0x4] =	wrdreg $0x28800  }
0xb1: {  	[dreg:$0x5] =	wrdreg $0x9  }
0xb2: {  	_ =	task.clear_ibuf [dreg:s7], $0x6FFFF;
	_ =	strace $0x90000046  }
0xb3: {  	s29 =	simm.s32 $0x9;
	_ =	strace $0x80000048  }
0xb4: {  	_ =	swait.ge [sflag:s29], $0x1  }
0xb5: {  	[sflag:s29] =	ssyncadd.s32 $0xFFFFFFFF  }
0xb6: {  	_ =	strace $0x90000048  }
0xb7: {  	_ =	sfence  }
0xb8: {  	s30 =	sld [smem:$0x0];
	_ =	sdelay $0x2  }
0xb9: {  	s31 =	sshll.u32 s1, $0xD;
	s1 =	sshrl.u32 s1, $0x2  }
0xba: {  	s3 =	sand.u32 $0x4000, s31;
	s1 =	sadd.s32 s1, s30  }
0xbb: {  	s0 =	sor.u32 s3, s0;
	s1 =	sshll.u32 s1, $0x11  }
0xbc: {  	s0 =	sor.u32 s1, s0  }
0xbd: {  	s0 =	sadd.s32 $0x8F2B, s0  }
0xbe: {  	[sflag:s0] =	ssyncadd.remote.s32 $0x1  }
0xbf: {  	_ =	sfence.sel $0xFFFF  }
0xc0: {  	[dreg:$0x0] =	wrdreg $0xFFFFFFFF;
	(pc) =	sbr.abs _section_cstart, $3  }
0xc1: {  	[dreg:$0x1] =	wrdreg $0xFFFFFFFF  }
0xc2: {  	_ =	task.clear_ibuf [dreg:s7], $0x2FFFF;
	_ =	strace $0x9FFFFFFF  }
0xc3: {  	(tm) =	ssettm $0x7FFFFFFF  }
tec
execute0_lowered:
.L_overlay_start_1:
0x0: {  	(tag) =	ssettag $0x1  }
0x1: {  	s5 =	rddreg [dreg:$0x0]  }
0x2: {  	s6 =	rddreg [dreg:$0x1]  }
0x3: {  	s2 =	rddreg [dreg:$0x2]  }
0x4: {  	s0 =	rddreg [dreg:$0x3];
	s3 =	simm.s32 $0x0;
	s1 =	stileid.u32  }
0x5: {  	s4 =	srdreg.scid;
	s13 =	simm.s32 $0x80;
	s14 =	simm.s32 $0x20  }
0x6: {  	s15 =	simm.s32 $0x10;
	s16 =	simm.s32 $0x0;
	s7 =	smul.u32 $0x500, s1  }
0x7: {  	[smem:$0x7FF] =	sst s3;
	s4 =	sand.u32 $0x1, s4;
	s8 =	smul.u32 $0xA00, s1  }
0x8: {  	s11 =	sshll.u32 s1, $0x1;
	s31 =	sshll.u32 s1, $0x6;
	_ =	strace $0x80000047  }
0x9: {  	s10 =	sshll.u32 s4, $0x7;
	s28 =	sor.u32 s4, s11;
	s29 =	ssub.s32 $0x2, s4  }
0xa: {  	s4 =	sadd.s32 $0x2800, s6;
	s9 =	sshrl.u32 s7, $0x3;
	s8 =	sor.u32 s10, s8  }
0xb: {  	s10 =	smul.u32 $0x500, s28;
	s30 =	sshrl.u32 s29, $0x1;
	s12 =	sadd.s32 s7, s2  }
0xc: {  	s9 =	sadd.s32 s9, s6;
	s8 =	sshrl.u32 s8, $0x3;
	s11 =	ssub.s32 s29, s30  }
0xd: {  	s12 =	sshrl.u32 s12, $0x3;
	s8 =	sadd.s32 s8, s6;
	s5 =	sadd.s32 s5, s10  }
0xe: {  	s6 =	sadd.s32 $0x1E00, s9;
	s9 =	simm.s32 $0x1;
	s10 =	simm.s32 $0x2800  }
0xf: {  	s7 =	sadd.s32 $0x2A00, s8;
	s8 =	smax.u32 s11, $0x1;
	s11 =	sor.u32 $0x1C01, s31  }
.LBB2_1:
0x10: {  	[tilespmem:s3], [sflag:$0x1] =	stream.linear.gather [hbm4b:s5+s3], $0x2780, $0x38;
	[tilespmem:$0x2D80] =	vst v63  }
0x11: {  	_ =	swait.ge [sflag:s9], $0x2780  }
0x12: {  	[sflag:s9] =	ssyncset.done $0x0  }
0x13: {  	[sflag:s9] =	ssyncadd.s32 $0xFFFFD880  }
0x14: {  	[tilespmem:s10], [sflag:$0x1] =	stream.linear.gather [hbm4b:s4+s3], $0x80, $0x38;
	[tilespmem:$0x2D80] =	vst v63  }
0x15: {  	_ =	swait.ge [sflag:s9], $0x80  }
0x16: {  	[sflag:s9] =	ssyncset.done $0x0  }
0x17: {  	[sflag:s9] =	ssyncadd.s32 $0xFFFFFF80  }
0x18: {  	[spmem:s12], [sflag:s11] =	dma.local [hbm:s6], $0xA0  }
0x19: {  	_ =	swait.ge [sflag:s9], $0xA0  }
0x1a: {  	[sflag:s9] =	ssyncset.done $0x0  }
0x1b: {  	[sflag:s9] =	ssyncadd.s32 $0xFFFFFF60  }
0x1c: {  	s17 =	simm.s32 $0x0;
	[bflag:$0x0] =	sbarrier.arrive $0xFFFF  }
0x1d: {  	[spmem:s2] =	stream.indirect.scatter.add.f32 [tilespmem:s10], [sflag:$0x1], $0x1, s17, s13, $0xb8;
	[tilespmem:$0x2D80] =	vst v63  }
0x1e: {  	_ =	swait.ge [sflag:s9], $0x80  }
0x1f: {  	s17 =	simm.s32 $0x200;
	[sflag:s9] =	ssyncset.done $0x0  }
.LBB2_2:
0x20: {  	s18 =	sshra.s32 s17, $0x2;
	[sflag:s9] =	ssyncadd.s32 $0xFFFFFF80;
	p0 =	sne.s32 s17, $0x9C00  }
0x21: {  	[spmem:s2] =	stream.indirect.scatter.add.f32 [tilespmem:s10], [sflag:$0x1], $0x1, s18, s13, $0xb8;
	[tilespmem:$0x2D80] =	vst v63  }
.Ltmp0:
0x22: {  	_ = 	snop;
	(pc) =	sbr.rel @p0 .LBB2_2-.Ltmp0, $4  }
0x23: {  	_ = 	snop  }
0x24: {  	s17 =	sadd.s32 $0x200, s17  }
0x25: {  	_ =	swait.ge [sflag:s9], $0x80  }
0x26: {  	[sflag:s9] =	ssyncset.done $0x0  }
0x27: {  	s16 =	sadd.s32 $0x1, s16  }
0x28: {  	[sflag:s9] =	ssyncadd.s32 $0xFFFFFF80;
	p0 =	sne.s32 s16, s8  }
.Ltmp1:
0x29: {  	[bflag:$0x0] =	sbarrier.arrive $0xFFFF;
	(pc) =	sbr.rel @p0 .LBB2_1-.Ltmp1, $4  }
0x2a: {  	[hbm:s7@s14], [sflag:s11] =	dma.strided [spmem:s12@s15], $0xA0, s9, $0x10   }
0x2b: {  	_ =	swait.ge [sflag:s9], $0xA0  }
0x2c: {  	[sflag:s9] =	ssyncset.done $0x0  }
0x2d: {  	[sflag:s9] =	ssyncadd.s32 $0xFFFFFF60  }
0x2e: {  	_ =	sfence.sel $0x180000  }
0x2f: {  	[bflag:$0x0] =	sbarrier.arrive $0xFFFF  }
0x30: {  	p0 =	sne.s32 s1, $0x0;
	_ =	strace $0x90000047  }
0x31: {  	s0 =	sadd.s32 @!p0 $0x100000, s0;
	[bflag:$0x2] =	sbarrier.arrive $0xFFFF  }
0x32: {  	[sflag:s0] =	ssyncadd.tile.s32 @!p0 $0x1;
	_ =	shalt  }
.Lfunc_end2:
_tile_overlayer_lowered:
.L_overlay_start_2:
0x33: {  	(tag) =	ssettag $0x2  }
0x34: {  	s0 =	rddreg [dreg:$0x0];
	s2 =	stileid.u32  }
0x35: {  	s1 =	rddreg [dreg:$0x1];
	p0 =	sne.s32 s2, $0x0  }
0x36: {  	s3 =	rddreg [dreg:$0x2];
	[bflag:$0x3] =	sbarrier.arrive $0xFFFF;
	s2 =	simm.s32 @!p0 $0x1C01  }
0x37: {  	[timem:s3], [sflag:s2] =	dma.local @!p0 [hbm:s0], s1  }
0x38: {  	s0 =	simm.s32 @!p0 $0x1  }
0x39: {  	_ =	swait.ge @!p0 [sflag:s0], s1  }
0x3a: {  	s1 =	ssub.s32 @!p0 $0x0, s1;
	[sflag:s0] =	ssyncset.done @!p0 $0x0  }
0x3b: {  	[sflag:s0] =	ssyncadd.s32 @!p0 s1  }
0x3c: {  	[bflag:$0x3] =	sbarrier.arrive $0xFFFF  }
0x3d: {  	_ =	shalt  }

// kernel: kernel.9.cloned.1.call-start
scs
__scs_entry_jumppad:
0x0: {  	(pc) =	sbr.rel $0x88, $3  }
0x1: {  	(tag) =	ssettag $0x0;
	lr =	simm.s32 $0x1  }
0x2: {  	[smem:$0x3F9C] =	sst lr;
	_ =	strace $0xD0000000  }
0x3: {  	_ = 	snop  }
0x4: {  	_ = 	snop  }
0x5: {  	_ = 	snop  }
0x6: {  	_ = 	snop  }
0x7: {  	_ = 	snop  }
__scs_overlays_trampoline_lowered:
0x8: {  	[smem:$0x3FAB] =	sst s0  }
0x9: {  	[smem:$0x3FAC] =	sst s1  }
0xa: {  	[smem:$0x3FAD] =	sst s2  }
0xb: {  	[smem:$0x3FAE] =	sst s3  }
0xc: {  	[smem:$0x3FAF] =	sst s4  }
0xd: {  	[smem:$0x3FB0] =	sst s5  }
0xe: {  	[smem:$0x3FB1] =	sst s6  }
0xf: {  	[smem:$0x3FB2] =	sst s7  }
0x10: {  	[smem:$0x3FB3] =	sst s8  }
0x11: {  	[smem:$0x3FB4] =	sst s9;
	s0 =	simm.s32 @!p0 $0x0  }
0x12: {  	s1 =	sld [smem:$0x3F9A];
	s0 =	simm.s32 @p0 $0x1  }
0x13: {  	[smem:$0x3FB5] =	sst s0;
	s0 =	simm.s32 @!p1 $0x0  }
0x14: {  	s2 =	sld [smem:$0x3F99];
	s0 =	simm.s32 @p1 $0x1  }
0x15: {  	[smem:$0x3FB6] =	sst s0;
	s0 =	simm.s32 @!p2 $0x0  }
0x16: {  	s3 =	sld [smem:$0x3FDB];
	s0 =	simm.s32 @p2 $0x1  }
0x17: {  	s4 =	simm.s32 $0x1BF5;
	[smem:$0x3FB8] =	sst s0  }
0x18: {  	s0 =	sld [smem:$0x3F9B];
	_ =	swait.ge [sflag:s4], $0x0  }
0x19: {  	s7 =	sld [smem:$0x3F9C]  }
0x1a: {  	s8 =	sadd.s32 $0xFFFFE003, lr  }
0x1b: {  	s9 =	sadd.s32 $0xFFFFFEF7, lr;
	s5 =	simm.s32 $0xFFFFFFFF;
	p2 =	slt.u32 s8, $0xFFFFF086  }
0x1c: {  	p1 =	slt.u32 s9, $0xF7A;
	s5 =	simm.s32 @!p2 $0x0  }
0x1d: {  	s5 =	simm.s32 @p1 $0x1;
	p0 =	seq.s32 s7, s2  }
0x1e: {  	s7 =	smul.u32 @!p0 $0xF7A, s2;
	p2 =	seq.s32 @!p0 s5, $0x0  }
0x1f: {  	s9 =	smul.u32 $0xF7A, s1;
	s8 =	simm.s32 @!p0 $0x1BF5;
	p2 =	por !p2, p0  }
0x20: {  	[sflag:s8] =	ssyncset.s32 @!p0 $0xFFFFF086;
	s6 =	sadd.s32 @!p0 s3, s7;
	s7 =	simm.s32 @!p0 $0x108  }
0x21: {  	s3 =	sadd.s32 s3, s9;
	s6 =	sadd.s32 @!p0 $0x88, s6;
	s7 =	simm.s32 @p2 $0x1082  }
0x22: {  	[simem:s7], [sflag:s8] =	dma.local @!p0 [hbm:s6], $0xF7A  }
0x23: {  	s9 =	sor.u32 $0xD0000000, s2;
	s6 =	simm.s32 $0x108;
	_ =	swait.ge @!p0 [sflag:s8], $0x0  }
0x24: {  	s3 =	sadd.s32 $0x88, s3;
	s6 =	simm.s32 @!p1 $0x1082;
	[sflag:s4] =	ssyncset.s32 $0xFFFFF086  }
0x25: {  	[simem:s6], [sflag:s4] =	dma.local [hbm:s3], $0xF7A  }
0x26: {  	[smem:$0x3F9C] =	sst s1;
	(tag) =	ssettag s2;
	_ =	strace s9  }
0x27: {  	s1 =	sld [smem:$0x3FAC]  }
0x28: {  	s2 =	sld [smem:$0x3FAD]  }
0x29: {  	s4 =	sld [smem:$0x3FAF]  }
0x2a: {  	p0 =	seq.s32 s5, $0x0;
	s5 =	sld [smem:$0x3FB0]  }
0x2b: {  	s6 =	sld [smem:$0x3FB1]  }
0x2c: {  	s7 =	sld [smem:$0x3FB2]  }
0x2d: {  	s3 =	simm.s32 $0x108;
	s8 =	sld [smem:$0x3FB3]  }
0x2e: {  	s3 =	simm.s32 @!p0 $0x1082;
	s9 =	sld [smem:$0x3FB4]  }
0x2f: {  	lr =	sadd.s32 s0, s3;
	s0 =	sld [smem:$0x3FAB]  }
0x30: {  	s3 =	sld [smem:$0x3FAE]  }
0x31: {  	[smem:$0x3FB7] =	sst s10  }
0x32: {  	s10 =	sld [smem:$0x3FB5];
	_ =	sdelay $0x3  }
0x33: {  	p0 =	seq.s32 s10, $0x1;
	s10 =	sld [smem:$0x3FB7];
	_ =	sdelay $0x3  }
0x34: {  	[smem:$0x3FB7] =	sst s10  }
0x35: {  	s10 =	sld [smem:$0x3FB6];
	_ =	sdelay $0x3  }
0x36: {  	p1 =	seq.s32 s10, $0x1;
	s10 =	sld [smem:$0x3FB7];
	_ =	sdelay $0x3  }
0x37: {  	[smem:$0x3FB7] =	sst s10  }
0x38: {  	s10 =	sld [smem:$0x3FB8]  }
0x39: {  	_ = 	snop;
	(pc) =	sbr.ind lr, $3  }
0x3a: {  	_ = 	snop  }
0x3b: {  	_ = 	snop  }
0x3c: {  	p2 =	seq.s32 s10, $0x1;
	s10 =	sld [smem:$0x3FB7]  }
0x3d: {  	_ =	shalt  }
0x3e: {  	_ =	shalt  }
0x3f: {  	_ =	shalt  }
0x40: {  	_ =	shalt  }
0x41: {  	_ =	shalt  }
0x42: {  	_ =	shalt  }
0x43: {  	_ =	shalt  }
0x44: {  	_ =	shalt  }
0x45: {  	_ =	shalt  }
0x46: {  	_ =	shalt  }
0x47: {  	_ =	shalt  }
0x48: {  	_ =	shalt  }
0x49: {  	_ =	shalt  }
0x4a: {  	_ =	shalt  }
0x4b: {  	_ =	shalt  }
0x4c: {  	_ =	shalt  }
0x4d: {  	_ =	shalt  }
0x4e: {  	_ =	shalt  }
0x4f: {  	_ =	shalt  }
0x50: {  	_ =	shalt  }
0x51: {  	_ =	shalt  }
0x52: {  	_ =	shalt  }
0x53: {  	_ =	shalt  }
0x54: {  	_ =	shalt  }
0x55: {  	_ =	shalt  }
0x56: {  	_ =	shalt  }
0x57: {  	_ =	shalt  }
0x58: {  	_ =	shalt  }
0x59: {  	_ =	shalt  }
0x5a: {  	_ =	shalt  }
0x5b: {  	_ =	shalt  }
0x5c: {  	_ =	shalt  }
0x5d: {  	_ =	shalt  }
0x5e: {  	_ =	shalt  }
0x5f: {  	_ =	shalt  }
0x60: {  	_ =	shalt  }
0x61: {  	_ =	shalt  }
0x62: {  	_ =	shalt  }
0x63: {  	_ =	shalt  }
0x64: {  	_ =	shalt  }
0x65: {  	_ =	shalt  }
0x66: {  	_ =	shalt  }
0x67: {  	_ =	shalt  }
0x68: {  	_ =	shalt  }
0x69: {  	_ =	shalt  }
0x6a: {  	_ =	shalt  }
0x6b: {  	_ =	shalt  }
0x6c: {  	_ =	shalt  }
0x6d: {  	_ =	shalt  }
0x6e: {  	_ =	shalt  }
0x6f: {  	_ =	shalt  }
0x70: {  	_ =	shalt  }
0x71: {  	_ =	shalt  }
0x72: {  	_ =	shalt  }
0x73: {  	_ =	shalt  }
0x74: {  	_ =	shalt  }
0x75: {  	_ =	shalt  }
0x76: {  	_ =	shalt  }
0x77: {  	_ =	shalt  }
0x78: {  	_ =	shalt  }
0x79: {  	_ =	shalt  }
0x7a: {  	_ =	shalt  }
0x7b: {  	_ =	shalt  }
0x7c: {  	_ =	shalt  }
0x7d: {  	_ =	shalt  }
0x7e: {  	_ =	shalt  }
0x7f: {  	_ =	shalt  }
0x80: {  	_ =	shalt  }
0x81: {  	_ =	shalt  }
0x82: {  	_ =	shalt  }
0x83: {  	_ =	shalt  }
0x84: {  	_ =	shalt  }
0x85: {  	_ =	shalt  }
0x86: {  	_ =	shalt  }
0x87: {  	_ =	shalt  }
.Lfunc_end0:
.L_simem_size_0:
called_computation.1_lowered:
.L_overlay_start_0:
0x88: {  	s2 =	sld [smem:$0x3FD9]  }
0x89: {  	s3 =	sld [smem:$0x3FFE];
	_ =	sdelay $0x1  }
0x8a: {  	s1 =	srdreg.scid  }
0x8b: {  	s0 =	sand.u32 $0x1, s1  }
0x8c: {  	s17 =	sshll.u32 s0, $0xA;
	s2 =	sadd.s32 s3, s2  }
0x8d: {  	s2 =	sadd.s32 s2, s17  }
0x8e: {  	[smem:$0x3FC3] =	sst s2  }
0x8f: {  	_ = 	snop  }
0x90: {  	s2 =	sld [smem:$0x3FD0];
	(tm) =	ssettm $0x1  }
0x91: {  	s18 =	sld [smem:$0x3FFB];
	_ =	sdelay $0x3  }
0x92: {  	_ =	strace s18  }
0x93: {  	s3 =	sld [smem:$0x3FFC];
	_ =	sdelay $0x3  }
0x94: {  	_ =	strace s3  }
0x95: {  	s3 =	sld [smem:$0x3FFD];
	_ =	sdelay $0x3  }
0x96: {  	_ =	strace s3  }
0x97: {  	_ =	strace $0x8FFFFFFF  }
0x98: {  	s19 =	sld [smem:$0x3FDB];
	_ =	sdelay $0x1  }
0x99: {  	s4 =	simm.s32 $_scs_section_size  }
0x9a: {  	s5 =	simm.s32 $_size__tile_overlayer_lowered;
	s6 =	simm.s32 $_tile_overlayer_lowered  }
0x9b: {  	s22 =	simm.s32 $0x1BFF;
	s21 =	sshll.u32 s6, $0x1;
	s3 =	sadd.s32 s4, s19  }
0x9c: {  	s7 =	simm.s32 $0x0;
	s20 =	sshll.u32 s5, $0x1;
	s5 =	sadd.s32 s21, s3  }
0x9d: {  	[timem:s7], [sflag:s22] =	dma.local [hbm:s5], s20  }
0x9e: {  	_ =	swait.ge [sflag:s22], s20  }
0x9f: {  	s4 =	ssub.s32 $0x0, s20;
	[sflag:s22] =	ssyncset.done $0x0  }
0xa0: {  	[sflag:s22] =	ssyncadd.s32 s4;
	_ =	sdelay $0x1  }
0xa1: {  	s23 =	simm.s32 $0x1B8B  }
0xa2: {  	_ =	swait.ge [sflag:s23], $0x1  }
0xa3: {  	[sflag:s23] =	ssyncset.done $0x0  }
0xa4: {  	s25 =	simm.s32 $0x1B8E;
	s24 =	sld [smem:$0x3FFE];
	[sflag:s23] =	ssyncadd.s32 $0xFFFFFFFF  }
0xa5: {  	s26 =	simm.s32 $execute0_lowered;
	[smem:$0x3FD2] =	sst s25  }
0xa6: {  	s5 =	sshll.u32 s26, $0x1;
	_ =	strace $0x80000049;
	[dreg:$0x1] =	wrdreg $0xFFFFFFFF  }
0xa7: {  	s28 =	simm.s32 $_size_execute0_lowered;
	s3 =	sadd.s32 s3, s5;
	[dreg:$0x0] =	wrdreg $0x0  }
0xa8: {  	s5 =	sshll.u32 s28, $0x1;
	[dreg:$0x2] =	wrdreg s3  }
0xa9: {  	[dreg:$0x3] =	wrdreg s5  }
0xaa: {  	[dreg:$0x4] =	wrdreg $0xC0  }
0xab: {  	_ =	task [dreg:s7], $0x5FFFF  }
0xac: {  	[dreg:$0x1] =	wrdreg $0xFFFFFFFF  }
0xad: {  	[dreg:$0x0] =	wrdreg $0x60  }
0xae: {  	[dreg:$0x2] =	wrdreg s2  }
0xaf: {  	[dreg:$0x3] =	wrdreg s24  }
0xb0: {  	[dreg:$0x4] =	wrdreg $0x90000  }
0xb1: {  	[dreg:$0x5] =	wrdreg $0x9  }
0xb2: {  	_ =	task.clear_ibuf [dreg:s7], $0x6FFFF;
	_ =	strace $0x90000049  }
0xb3: {  	s29 =	simm.s32 $0x9;
	_ =	strace $0x8000004B  }
0xb4: {  	_ =	swait.ge [sflag:s29], $0x1  }
0xb5: {  	[sflag:s29] =	ssyncadd.s32 $0xFFFFFFFF  }
0xb6: {  	_ =	strace $0x9000004B  }
0xb7: {  	_ =	sfence  }
0xb8: {  	s30 =	sld [smem:$0x0];
	_ =	sdelay $0x2  }
0xb9: {  	s31 =	sshll.u32 s1, $0xD;
	s1 =	sshrl.u32 s1, $0x2  }
0xba: {  	s3 =	sand.u32 $0x4000, s31;
	s1 =	sadd.s32 s1, s30  }
0xbb: {  	s0 =	sor.u32 s3, s0;
	s1 =	sshll.u32 s1, $0x11  }
0xbc: {  	s0 =	sor.u32 s1, s0  }
0xbd: {  	s0 =	sadd.s32 $0x8F2B, s0  }
0xbe: {  	[sflag:s0] =	ssyncadd.remote.s32 $0x1  }
0xbf: {  	_ =	sfence.sel $0xFFFF  }
0xc0: {  	[dreg:$0x0] =	wrdreg $0xFFFFFFFF;
	(pc) =	sbr.abs _section_cstart, $3  }
0xc1: {  	[dreg:$0x1] =	wrdreg $0xFFFFFFFF  }
0xc2: {  	_ =	task.clear_ibuf [dreg:s7], $0x2FFFF;
	_ =	strace $0x9FFFFFFF  }
0xc3: {  	(tm) =	ssettm $0x7FFFFFFF  }
tec
execute0_lowered:
.L_overlay_start_1:
0x0: {  	(tag) =	ssettag $0x1  }
0x1: {  	s1 =	rddreg [dreg:$0x0]  }
0x2: {  	s8 =	rddreg [dreg:$0x1]  }
0x3: {  	s3 =	rddreg [dreg:$0x2]  }
0x4: {  	s0 =	rddreg [dreg:$0x3];
	s4 =	simm.s32 $0x0  }
0x5: {  	s2 =	stileid.u32;
	s9 =	srdreg.scid;
	s17 =	simm.s32 $0x80  }
0x6: {  	s18 =	simm.s32 $0x5000;
	s19 =	simm.s32 $0x1;
	s7 =	smul.u32 $0x500, s2  }
0x7: {  	s20 =	simm.s32 $0x0;
	[smem:$0x7FF] =	sst s4;
	s6 =	smul.u32 $0x2800, s2  }
0x8: {  	s5 =	sadd.s32 $0xDE00, s8;
	s13 =	sand.u32 $0x1, s9;
	s11 =	smul.u32 $0x50000, s2  }
0x9: {  	s15 =	sshll.u32 s2, $0x6;
	_ =	strace $0x8000004A;
	s9 =	ssub.s32 $0x2, s13  }
0xa: {  	p0 =	sne.s32 s13, $0x0;
	s13 =	simm.s32 $0x2;
	s15 =	sor.u32 $0x1C02, s15  }
.Ltmp0:
0xb: {  	s10 =	sadd.s32 s7, s8;
	s12 =	sadd.s32 s6, s8;
	(pc) =	sbr.rel .LBB2_1-.Ltmp0, $4  }
0xc: {  	s7 =	sadd.s32 $0x5DE00, s8;
	s14 =	sshrl.u32 s9, $0x1;
	s8 =	sadd.s32 $0x85E00, s8  }
0xd: {  	s11 =	sshrl.u32 s11, $0x2;
	s14 =	ssub.s32 s9, s14;
	s9 =	sadd.s32 $0x3E00, s10  }
0xe: {  	s10 =	sadd.s32 $0x8E00, s10;
	s16 =	sadd.s32 s11, s3;
	s11 =	sadd.s32 $0x35E00, s12  }
0xf: {  	s12 =	smax.u32 s14, $0x1;
	s14 =	simm.s32 $0x2800;
	s16 =	sshrl.u32 s16, $0x3  }
.LBB2_7:
0x10: {  	s21 =	sshra.s32 s21, $0x2;
	[sflag:s13] =	ssyncadd.s32 $0xFFFFC000  }
0x11: {  	[tilespmem:s18], [sflag:$0x1] =	stream.indirect.gather [hbm4b:s5+s17], $0x80, s21, s17, $0xb8;
	[tilespmem:$0x1D000] =	vst v63  }
0x12: {  	_ =	swait.ge [sflag:s19], $0x4000  }
0x13: {  	[sflag:s19] =	ssyncset.done $0x0  }
0x14: {  	s21 =	sadd.s32 $0x2800, s21;
	[sflag:s19] =	ssyncadd.s32 $0xFFFFC000  }
0x15: {  	[spmem:s3] =	stream.indirect.scatter.add.f32 [tilespmem:s18], [sflag:$0x2], $0x80, s21, s17, $0xb8;
	[tilespmem:$0x1D000] =	vst v63  }
0x16: {  	_ =	swait.ge [sflag:s13], $0x4000  }
0x17: {  	[sflag:s13] =	ssyncset.done $0x0  }
0x18: {  	s21 =	smov.u32 s8;
	[sflag:s13] =	ssyncadd.s32 $0xFFFFC000  }
.LBB2_8:
0x19: {  	s20 =	sadd.s32 $0x1, s20  }
0x1a: {  	p1 =	sne.s32 s20, s12  }
.Ltmp1:
0x1b: {  	s21 =	sadd.s32 s21, s6;
	[bflag:$0x0] =	sbarrier.arrive $0xFFFF;
	(pc) =	sbr.rel @!p1 .LBB2_9-.Ltmp1, $4  }
0x1c: {  	[hbm:s21], [sflag:s15] =	dma.local [spmem:s16], $0x2800  }
0x1d: {  	_ =	swait.ge [sflag:s13], $0x2800  }
0x1e: {  	[sflag:s13] =	ssyncset.done $0x0  }
0x1f: {  	[sflag:s13] =	ssyncadd.s32 $0xFFFFD800  }
.LBB2_1:
0x20: {  	[tilespmem:s4], [sflag:$0x2] =	stream.linear.gather [hbm4b:s9+s4], $0x2780, $0x38;
	[tilespmem:$0x1D000] =	vst v63  }
0x21: {  	_ =	swait.ge [sflag:s13], $0x2780  }
0x22: {  	[sflag:s13] =	ssyncset.done $0x0  }
0x23: {  	[sflag:s13] =	ssyncadd.s32 $0xFFFFD880  }
0x24: {  	[tilespmem:s14], [sflag:$0x2] =	stream.linear.gather [hbm4b:s10+s4], $0x2780, $0x38;
	[tilespmem:$0x1D000] =	vst v63  }
0x25: {  	_ =	swait.ge [sflag:s13], $0x2780  }
0x26: {  	[sflag:s13] =	ssyncset.done $0x0  }
0x27: {  	[sflag:s13] =	ssyncadd.s32 $0xFFFFD880  }
0x28: {  	[spmem:s16], [sflag:s15] =	dma.local [hbm:s11], $0x2800  }
.Ltmp2:
0x29: {  	_ =	swait.ge [sflag:s13], $0x2800;
	(pc) =	sbr.rel @p0 .LBB2_5-.Ltmp2, $4  }
0x2a: {  	[sflag:s13] =	ssyncset.done $0x0  }
0x2b: {  	[sflag:s13] =	ssyncadd.s32 $0xFFFFD800  }
0x2c: {  	[bflag:$0x0] =	sbarrier.arrive $0xFFFF  }
0x2d: {  	s21 =	simm.s32 $0x0  }
0x2e: {  	[tilespmem:s18], [sflag:$0x1] =	stream.indirect.gather [hbm4b:s1+s17], $0x80, s21, s17, $0xb8;
	[tilespmem:$0x1D000] =	vst v63  }
0x2f: {  	_ =	swait.ge [sflag:s19], $0x4000  }
0x30: {  	[sflag:s19] =	ssyncset.done $0x0  }
0x31: {  	s31 =	simm.s32 $0x2800;
	[sflag:s19] =	ssyncadd.s32 $0xFFFFC000  }
0x32: {  	[spmem:s3] =	stream.indirect.scatter.add.f32 [tilespmem:s18], [sflag:$0x2], $0x80, s31, s17, $0xb8;
	[tilespmem:$0x1D000] =	vst v63  }
0x33: {  	_ =	swait.ge [sflag:s13], $0x4000  }
0x34: {  	s21 =	simm.s32 $0x200;
	s22 =	simm.s32 $0x400;
	[sflag:s13] =	ssyncset.done $0x0  }
.LBB2_3:
0x35: {  	s23 =	sshra.s32 s21, $0x2  }
0x36: {  	[sflag:s13] =	ssyncadd.s32 $0xFFFFC000;
	s21 =	smov.u32 s22;
	s24 =	sadd.s32 $0x200, s22  }
0x37: {  	[tilespmem:s18], [sflag:$0x1] =	stream.indirect.gather [hbm4b:s1+s17], $0x80, s23, s17, $0xb8;
	[tilespmem:$0x1D000] =	vst v63  }
0x38: {  	p1 =	seq.s32 s22, $0x9C00;
	_ =	swait.ge [sflag:s19], $0x4000  }
.Ltmp3:
0x39: {  	[sflag:s19] =	ssyncset.done $0x0;
	(pc) =	sbr.rel @!p1 .LBB2_3-.Ltmp3, $4  }
0x3a: {  	s22 =	sadd.s32 $0x2800, s23;
	[sflag:s19] =	ssyncadd.s32 $0xFFFFC000  }
0x3b: {  	[spmem:s3] =	stream.indirect.scatter.add.f32 [tilespmem:s18], [sflag:$0x2], $0x80, s22, s17, $0xb8;
	[tilespmem:$0x1D000] =	vst v63  }
0x3c: {  	_ =	swait.ge [sflag:s13], $0x4000  }
0x3d: {  	s22 =	smov.u32 s24;
	[sflag:s13] =	ssyncset.done $0x0  }
0x3e: {  	s21 =	sshra.s32 s21, $0x2;
	[sflag:s13] =	ssyncadd.s32 $0xFFFFC000  }
0x3f: {  	[tilespmem:s18], [sflag:$0x1] =	stream.indirect.gather [hbm4b:s1+s17], $0x80, s21, s17, $0xb8;
	[tilespmem:$0x1D000] =	vst v63  }
0x40: {  	_ =	swait.ge [sflag:s19], $0x4000  }
0x41: {  	[sflag:s19] =	ssyncset.done $0x0  }
.Ltmp4:
0x42: {  	s21 =	sadd.s32 $0x2800, s21;
	[sflag:s19] =	ssyncadd.s32 $0xFFFFC000;
	(pc) =	sbr.rel .LBB2_8-.Ltmp4, $4  }
0x43: {  	[spmem:s3] =	stream.indirect.scatter.add.f32 [tilespmem:s18], [sflag:$0x2], $0x80, s21, s17, $0xb8;
	[tilespmem:$0x1D000] =	vst v63  }
0x44: {  	_ =	swait.ge [sflag:s13], $0x4000  }
0x45: {  	[sflag:s13] =	ssyncset.done $0x0  }
0x46: {  	s21 =	smov.u32 s7;
	[sflag:s13] =	ssyncadd.s32 $0xFFFFC000  }
.LBB2_5:
0x47: {  	[tilespmem:s18], [sflag:$0x1] =	stream.indirect.gather [hbm4b:s5+s17], $0x80, s21, s17, $0xb8;
	[tilespmem:$0x1D000] =	vst v63  }
0x48: {  	_ =	swait.ge [sflag:s19], $0x4000  }
0x49: {  	[sflag:s19] =	ssyncset.done $0x0  }
0x4a: {  	s31 =	simm.s32 $0x2800;
	[sflag:s19] =	ssyncadd.s32 $0xFFFFC000  }
0x4b: {  	[spmem:s3] =	stream.indirect.scatter.add.f32 [tilespmem:s18], [sflag:$0x2], $0x80, s31, s17, $0xb8;
	[tilespmem:$0x1D000] =	vst v63  }
0x4c: {  	_ =	swait.ge [sflag:s13], $0x4000  }
0x4d: {  	s21 =	simm.s32 $0x200;
	s22 =	simm.s32 $0x400;
	[sflag:s13] =	ssyncset.done $0x0  }
.LBB2_6:
0x4e: {  	s23 =	sshra.s32 s21, $0x2  }
0x4f: {  	[sflag:s13] =	ssyncadd.s32 $0xFFFFC000;
	s21 =	smov.u32 s22;
	s24 =	sadd.s32 $0x200, s22  }
0x50: {  	[tilespmem:s18], [sflag:$0x1] =	stream.indirect.gather [hbm4b:s5+s17], $0x80, s23, s17, $0xb8;
	[tilespmem:$0x1D000] =	vst v63  }
0x51: {  	p1 =	sne.s32 s22, $0x9C00;
	_ =	swait.ge [sflag:s19], $0x4000  }
.Ltmp5:
0x52: {  	[sflag:s19] =	ssyncset.done $0x0;
	(pc) =	sbr.rel @p1 .LBB2_6-.Ltmp5, $4  }
0x53: {  	s22 =	sadd.s32 $0x2800, s23;
	[sflag:s19] =	ssyncadd.s32 $0xFFFFC000  }
0x54: {  	[spmem:s3] =	stream.indirect.scatter.add.f32 [tilespmem:s18], [sflag:$0x2], $0x80, s22, s17, $0xb8;
	[tilespmem:$0x1D000] =	vst v63  }
0x55: {  	_ =	swait.ge [sflag:s13], $0x4000  }
0x56: {  	s22 =	smov.u32 s24;
	[sflag:s13] =	ssyncset.done $0x0  }
.Ltmp6:
0x57: {  	_ = 	snop;
	(pc) =	sbr.rel .LBB2_7-.Ltmp6, $1  }
0x58: {  	_ =	sdelay $0x3  }
.LBB2_9:
0x59: {  	_ =	sfence.sel $0x180000  }
0x5a: {  	[bflag:$0x0] =	sbarrier.arrive $0xFFFF  }
0x5b: {  	p0 =	sne.s32 s2, $0x0;
	_ =	strace $0x9000004A  }
0x5c: {  	s0 =	sadd.s32 @!p0 $0x100000, s0;
	[bflag:$0x2] =	sbarrier.arrive $0xFFFF  }
0x5d: {  	[sflag:s0] =	ssyncadd.tile.s32 @!p0 $0x1;
	_ =	shalt  }
.Lfunc_end2:
_tile_overlayer_lowered:
.L_overlay_start_2:
0x5e: {  	(tag) =	ssettag $0x2  }
0x5f: {  	s0 =	rddreg [dreg:$0x0];
	s2 =	stileid.u32  }
0x60: {  	s1 =	rddreg [dreg:$0x1];
	p0 =	sne.s32 s2, $0x0  }
0x61: {  	s3 =	rddreg [dreg:$0x2];
	[bflag:$0x3] =	sbarrier.arrive $0xFFFF;
	s2 =	simm.s32 @!p0 $0x1C02  }
0x62: {  	[timem:s3], [sflag:s2] =	dma.local @!p0 [hbm:s0], s1  }
0x63: {  	s0 =	simm.s32 @!p0 $0x2  }
0x64: {  	_ =	swait.ge @!p0 [sflag:s0], s1  }
0x65: {  	s1 =	ssub.s32 @!p0 $0x0, s1;
	[sflag:s0] =	ssyncset.done @!p0 $0x0  }
0x66: {  	[sflag:s0] =	ssyncadd.s32 @!p0 s1  }
0x67: {  	[bflag:$0x3] =	sbarrier.arrive $0xFFFF  }
0x68: {  	_ =	shalt  }

</sc_bundles>
